<compile_context>
chip_gen: v7x
topology: tpu7x:2x2x1
jax: 0.10.2.dev20260603
libtpu: 0.0.44.dev20260713+nightly
codegen_flags: <defaults>
</compile_context>

<pallas_src>
import functools

import jax
import jax.numpy as jnp
from jax import lax
from jax.experimental import pallas as pl
from jax.experimental.pallas import tpu as pltpu
from jax.experimental.pallas import tpu_sc as plsc

D = 64
SCALE = 8.0
NC, NS, L = 2, 16, 16
NW = NC * NS
TB = 128
VB = 16384


def _prep_table(V):
    def body(tt_ref, tabs_ref):
        e = jnp.where(
            lax.broadcasted_iota(jnp.int32, (D, 2 * D), 0)
            == lax.broadcasted_iota(jnp.int32, (D, 2 * D), 1),
            SCALE, 0.0).astype(jnp.bfloat16)
        x = tt_ref[...]
        hi = x.astype(jnp.bfloat16)
        r1 = x - hi.astype(jnp.float32)
        md = r1.astype(jnp.bfloat16)
        lo = (r1 - md.astype(jnp.float32)).astype(jnp.bfloat16)
        dims = (((0,), (0,)), ((), ()))
        acc = lax.dot_general(hi, e, dims,
                              preferred_element_type=jnp.float32)
        acc = acc + lax.dot_general(md, e, dims,
                                    preferred_element_type=jnp.float32)
        acc = acc + lax.dot_general(lo, e, dims,
                                    preferred_element_type=jnp.float32)
        tabs_ref[...] = acc

    return pl.pallas_call(
        body,
        grid=(pl.cdiv(V, VB),),
        in_specs=[pl.BlockSpec((D, VB), lambda v: (0, v))],
        out_specs=pl.BlockSpec((VB, 2 * D), lambda v: (v, 0)),
        out_shape=jax.ShapeDtypeStruct((V, 2 * D), jnp.float32),
    )


def _make_gather(T, S):
    n_tb = T // (NW * TB)
    n_units = S * n_tb
    assert n_units % 2 == 0 and n_units >= 4
    mesh = plsc.VectorSubcoreMesh(core_axis_name="c", subcore_axis_name="s")

    @functools.partial(
        pl.kernel,
        mesh=mesh,
        compiler_params=pltpu.CompilerParams(needs_layout_passes=False),
        out_type=jax.ShapeDtypeStruct((T, S, 2 * D), jnp.float32),
        scratch_types=[
            pltpu.VMEM((TB,), jnp.int32),
            pltpu.VMEM((TB,), jnp.int32),
            pltpu.VMEM((TB, 2 * D), jnp.float32),
            pltpu.VMEM((TB, 2 * D), jnp.float32),
            pltpu.SemaphoreType.DMA,
            pltpu.SemaphoreType.DMA,
            pltpu.SemaphoreType.DMA,
            pltpu.SemaphoreType.DMA,
            pltpu.SemaphoreType.DMA,
            pltpu.SemaphoreType.DMA,
        ],
    )
    def k(tok_t, tabs, mid, tokA, tokB, rowsA, rowsB,
          tsA, tsB, gsA, gsB, osA, osB):
        wid = lax.axis_index("s") * NC + lax.axis_index("c")
        t_base = wid * (n_tb * TB)

        def tok_src(u):
            s = u // n_tb
            t0 = t_base + (u % n_tb) * TB
            return tok_t.at[s, pl.ds(t0, TB)]

        def start_tok(u, tok_v, sem):
            pltpu.async_copy(tok_src(u), tok_v, sem)

        def wait_tok(u, tok_v, sem):
            pltpu.make_async_copy(tok_src(u), tok_v, sem).wait()

        def start_gather(idx_v, rows_v, sem):
            pltpu.async_copy(tabs.at[idx_v], rows_v, sem)

        def wait_gather(idx_v, rows_v, sem):
            pltpu.make_async_copy(tabs.at[idx_v], rows_v, sem).wait()

        def mid_dst(u):
            s = u // n_tb
            t0 = t_base + (u % n_tb) * TB
            return mid.at[pl.ds(t0, TB), s, :]

        def start_out(u, rows_v, sem):
            pltpu.async_copy(rows_v, mid_dst(u), sem)

        def wait_out(u, rows_v, sem):
            pltpu.make_async_copy(rows_v, mid_dst(u), sem).wait()

        pltpu.sync_copy(tok_src(0), tokA)
        start_gather(tokA, rowsA, gsA)
        start_tok(1, tokB, tsB)
        wait_tok(1, tokB, tsB)
        wait_gather(tokA, rowsA, gsA)
        start_gather(tokB, rowsB, gsB)
        start_tok(2, tokA, tsA)
        start_out(0, rowsA, osA)
        wait_tok(2, tokA, tsA)
        wait_gather(tokB, rowsB, gsB)
        start_out(1, rowsB, osB)

        def pair(kk, carry):
            u0 = 2 * kk
            wait_out(u0 - 2, rowsA, osA)
            start_gather(tokA, rowsA, gsA)
            start_tok(u0 + 1, tokB, tsB)
            wait_tok(u0 + 1, tokB, tsB)
            wait_out(u0 - 1, rowsB, osB)
            wait_gather(tokA, rowsA, gsA)
            start_gather(tokB, rowsB, gsB)
            start_tok(u0 + 2, tokA, tsA)
            start_out(u0, rowsA, osA)
            wait_tok(u0 + 2, tokA, tsA)
            wait_gather(tokB, rowsB, gsB)
            start_out(u0 + 1, rowsB, osB)
            return carry

        lax.fori_loop(1, n_units // 2 - 1, pair, 0)

        u0 = n_units - 2
        wait_out(u0 - 2, rowsA, osA)
        start_gather(tokA, rowsA, gsA)
        start_tok(u0 + 1, tokB, tsB)
        wait_tok(u0 + 1, tokB, tsB)
        wait_out(u0 - 1, rowsB, osB)
        wait_gather(tokA, rowsA, gsA)
        start_gather(tokB, rowsB, gsB)
        start_out(u0, rowsA, osA)
        wait_gather(tokB, rowsB, gsB)
        start_out(u0 + 1, rowsB, osB)
        wait_out(u0, rowsA, osA)
        wait_out(u0 + 1, rowsB, osB)

    return k


def kernel(tokens, table):
    T, S = tokens.shape
    V = table.shape[0]
    tabs = _prep_table(V)(table.T)
    mid = _make_gather(T, S)(tokens.T, tabs)
    return mid[:, :, :D]

# --- scband reference (transcript-rebuilt; emitter-appended) ---
"""Pipeline reference for scband-token-embedding-17471926960160 (READ-ONLY COPY).

The authoritative reference and input builder live on the scoring server;
editing this copy changes nothing except your own understanding.
"""

import jax, jax.numpy as jnp
import numpy as np

VOCAB = 1000000
EMB = 64

def setup_inputs(seed: int = 0) -> dict:
    key = jax.random.key(seed)
    k1, k2 = jax.random.split(key)
    tokens = jax.random.randint(k1, (16384, 50), 0, VOCAB, dtype=jnp.int64 if jax.config.jax_enable_x64 else jnp.int32)
    table = jax.random.normal(k2, (VOCAB, EMB), dtype=jnp.float32)
    return {"tokens": tokens, "table": table}

def reference(tokens, table):
    # torch.nn.Embedding lookup followed by scaling with sqrt(emb_size)
    emb = jnp.take(table, tokens, axis=0)
    return emb * np.sqrt(EMB)

if __name__ == "__main__":
    import jax
    _d = setup_inputs()
    print(jax.jit(kernel)(*tuple(_d.values())))

</pallas_src>

<mosaic_0001>
#map = affine_map<(d0, d1) -> (0, 0)>
#map1 = affine_map<(d0, d1) -> (0, 0, 0)>
module attributes {stable_mosaic.version = 14 : i64} {
  func.func @k(%arg0: i32, %arg1: i32, %arg2: memref<50x16384xi32, #tpu.memory_space<hbm>>, %arg3: memref<1000000x128xf32, #tpu.memory_space<hbm>>, %arg4: memref<16384x50x128xf32, #tpu.memory_space<hbm>>, %arg5: memref<128xi32, #tpu.memory_space<vmem>>, %arg6: memref<128xi32, #tpu.memory_space<vmem>>, %arg7: memref<128x128xf32, #tpu.memory_space<vmem>>, %arg8: memref<128x128xf32, #tpu.memory_space<vmem>>, %arg9: memref<!tpu.dma_semaphore, #tpu.memory_space<semaphore_mem>>, %arg10: memref<!tpu.dma_semaphore, #tpu.memory_space<semaphore_mem>>, %arg11: memref<!tpu.dma_semaphore, #tpu.memory_space<semaphore_mem>>, %arg12: memref<!tpu.dma_semaphore, #tpu.memory_space<semaphore_mem>>, %arg13: memref<!tpu.dma_semaphore, #tpu.memory_space<semaphore_mem>>, %arg14: memref<!tpu.dma_semaphore, #tpu.memory_space<semaphore_mem>>) attributes {dimension_semantics = [#tpu.dimension_semantics<core_parallel>, #tpu.dimension_semantics<subcore_parallel>], iteration_bounds = array<i64: 2, 16>, scalar_prefetch = 0 : i64, scratch_operands = 10 : i64, tpu.core_type = #tpu.core_type<sc_vector_subcore>, window_params = [{transform_indices = #map}, {transform_indices = #map}, {transform_indices = #map1}]} {
    %mul3A = arith.constant 2 : i32
    %mul3A_0 = arith.muli %arg1, %mul3A : i32
    %add3A = arith.addi %mul3A_0, %arg0 : i32
    %mul3A_1 = arith.constant 512 : i32
    %mul3A_2 = arith.muli %add3A, %mul3A_1 : i32
    %add3A_3 = arith.constant 0 : i32
    %add3A_4 = arith.addi %mul3A_2, %add3A_3 : i32
    %run_scoped3A = arith.constant 0 : i32
    "tpu.region"() ({
      %run_scoped3A_146 = tpu.sem_alloc : memref<!tpu.dma_semaphore, #tpu.memory_space<semaphore_mem>>
      %dma_start3A_147 = tpu.memref_slice %arg2[%run_scoped3A, %add3A_4] : memref<50x16384xi32, #tpu.memory_space<hbm>> -> memref<1x128xi32, #tpu.memory_space<hbm>>
      %dma_start3A_148 = tpu.memref_squeeze %dma_start3A_147 : memref<1x128xi32, #tpu.memory_space<hbm>> -> memref<128xi32, #tpu.memory_space<hbm>>
      %dma_start3A_149 = tpu.memref_slice %arg2[%run_scoped3A, %add3A_4] : memref<50x16384xi32, #tpu.memory_space<hbm>> -> memref<1x128xi32, #tpu.memory_space<hbm>>
      %dma_start3A_150 = tpu.memref_squeeze %dma_start3A_149 : memref<1x128xi32, #tpu.memory_space<hbm>> -> memref<128xi32, #tpu.memory_space<hbm>>
      tpu.enqueue_dma source(%dma_start3A_150 : memref<128xi32, #tpu.memory_space<hbm>>) target(%arg5 : memref<128xi32, #tpu.memory_space<vmem>>) target_semaphore(%run_scoped3A_146 : memref<!tpu.dma_semaphore, #tpu.memory_space<semaphore_mem>>)
      %dma_wait3A_151 = tpu.memref_slice %arg2[%run_scoped3A, %add3A_4] : memref<50x16384xi32, #tpu.memory_space<hbm>> -> memref<1x128xi32, #tpu.memory_space<hbm>>
      %dma_wait3A_152 = tpu.memref_squeeze %dma_wait3A_151 : memref<1x128xi32, #tpu.memory_space<hbm>> -> memref<128xi32, #tpu.memory_space<hbm>>
      %dma_wait3A_153 = tpu.memref_slice %arg2[%run_scoped3A, %add3A_4] : memref<50x16384xi32, #tpu.memory_space<hbm>> -> memref<1x128xi32, #tpu.memory_space<hbm>>
      %dma_wait3A_154 = tpu.memref_squeeze %dma_wait3A_153 : memref<1x128xi32, #tpu.memory_space<hbm>> -> memref<128xi32, #tpu.memory_space<hbm>>
      tpu.wait_dma2 semaphore(%run_scoped3A_146 : memref<!tpu.dma_semaphore, #tpu.memory_space<semaphore_mem>>) src(%dma_wait3A_154 : memref<128xi32, #tpu.memory_space<hbm>>) dst(%arg5 : memref<128xi32, #tpu.memory_space<vmem>>)
      tpu.yield
    }) : () -> ()
    %dma_start3A = arith.constant 0 : i32
    %dma_start3A_5 = arith.constant 0 : i32
    %dma_start3A_6 = tpu.memref_slice %arg3[%dma_start3A, %dma_start3A_5] : memref<1000000x128xf32, #tpu.memory_space<hbm>> -> memref<1000000x128xf32, #tpu.memory_space<hbm>>
    tpu.enqueue_indirect_dma source(%dma_start3A_6 : memref<1000000x128xf32, #tpu.memory_space<hbm>>) target(%arg7 : memref<128x128xf32, #tpu.memory_space<vmem>>) offsets(%arg5 : memref<128xi32, #tpu.memory_space<vmem>>) semaphore(%arg11 : memref<!tpu.dma_semaphore, #tpu.memory_space<semaphore_mem>>)
    %add3A_7 = arith.constant 128 : i32
    %add3A_8 = arith.addi %mul3A_2, %add3A_7 : i32
    %dma_start3A_9 = arith.constant 0 : i32
    %dma_start3A_10 = tpu.memref_slice %arg2[%dma_start3A_9, %add3A_8] : memref<50x16384xi32, #tpu.memory_space<hbm>> -> memref<1x128xi32, #tpu.memory_space<hbm>>
    %dma_start3A_11 = tpu.memref_squeeze %dma_start3A_10 : memref<1x128xi32, #tpu.memory_space<hbm>> -> memref<128xi32, #tpu.memory_space<hbm>>
    %dma_start3A_12 = tpu.memref_slice %arg2[%dma_start3A_9, %add3A_8] : memref<50x16384xi32, #tpu.memory_space<hbm>> -> memref<1x128xi32, #tpu.memory_space<hbm>>
    %dma_start3A_13 = tpu.memref_squeeze %dma_start3A_12 : memref<1x128xi32, #tpu.memory_space<hbm>> -> memref<128xi32, #tpu.memory_space<hbm>>
    tpu.enqueue_dma source(%dma_start3A_13 : memref<128xi32, #tpu.memory_space<hbm>>) target(%arg6 : memref<128xi32, #tpu.memory_space<vmem>>) target_semaphore(%arg10 : memref<!tpu.dma_semaphore, #tpu.memory_space<semaphore_mem>>)
    %add3A_14 = arith.constant 128 : i32
    %add3A_15 = arith.addi %mul3A_2, %add3A_14 : i32
    %dma_wait3A = arith.constant 0 : i32
    %dma_wait3A_16 = tpu.memref_slice %arg2[%dma_wait3A, %add3A_15] : memref<50x16384xi32, #tpu.memory_space<hbm>> -> memref<1x128xi32, #tpu.memory_space<hbm>>
    %dma_wait3A_17 = tpu.memref_squeeze %dma_wait3A_16 : memref<1x128xi32, #tpu.memory_space<hbm>> -> memref<128xi32, #tpu.memory_space<hbm>>
    %dma_wait3A_18 = tpu.memref_slice %arg2[%dma_wait3A, %add3A_15] : memref<50x16384xi32, #tpu.memory_space<hbm>> -> memref<1x128xi32, #tpu.memory_space<hbm>>
    %dma_wait3A_19 = tpu.memref_squeeze %dma_wait3A_18 : memref<1x128xi32, #tpu.memory_space<hbm>> -> memref<128xi32, #tpu.memory_space<hbm>>
    tpu.wait_dma2 semaphore(%arg10 : memref<!tpu.dma_semaphore, #tpu.memory_space<semaphore_mem>>) src(%dma_wait3A_19 : memref<128xi32, #tpu.memory_space<hbm>>) dst(%arg6 : memref<128xi32, #tpu.memory_space<vmem>>)
    %dma_wait3A_20 = arith.constant 0 : i32
    %dma_wait3A_21 = arith.constant 0 : i32
    %dma_wait3A_22 = tpu.memref_slice %arg3[%dma_wait3A_20, %dma_wait3A_21] : memref<1000000x128xf32, #tpu.memory_space<hbm>> -> memref<1000000x128xf32, #tpu.memory_space<hbm>>
    tpu.wait_indirect_dma semaphore(%arg11 : memref<!tpu.dma_semaphore, #tpu.memory_space<semaphore_mem>>) src(%dma_wait3A_22 : memref<1000000x128xf32, #tpu.memory_space<hbm>>) dst(%arg7 : memref<128x128xf32, #tpu.memory_space<vmem>>)
    %dma_start3A_23 = arith.constant 0 : i32
    %dma_start3A_24 = arith.constant 0 : i32
    %dma_start3A_25 = tpu.memref_slice %arg3[%dma_start3A_23, %dma_start3A_24] : memref<1000000x128xf32, #tpu.memory_space<hbm>> -> memref<1000000x128xf32, #tpu.memory_space<hbm>>
    tpu.enqueue_indirect_dma source(%dma_start3A_25 : memref<1000000x128xf32, #tpu.memory_space<hbm>>) target(%arg8 : memref<128x128xf32, #tpu.memory_space<vmem>>) offsets(%arg6 : memref<128xi32, #tpu.memory_space<vmem>>) semaphore(%arg12 : memref<!tpu.dma_semaphore, #tpu.memory_space<semaphore_mem>>)
    %add3A_26 = arith.constant 256 : i32
    %add3A_27 = arith.addi %mul3A_2, %add3A_26 : i32
    %dma_start3A_28 = arith.constant 0 : i32
    %dma_start3A_29 = tpu.memref_slice %arg2[%dma_start3A_28, %add3A_27] : memref<50x16384xi32, #tpu.memory_space<hbm>> -> memref<1x128xi32, #tpu.memory_space<hbm>>
    %dma_start3A_30 = tpu.memref_squeeze %dma_start3A_29 : memref<1x128xi32, #tpu.memory_space<hbm>> -> memref<128xi32, #tpu.memory_space<hbm>>
    %dma_start3A_31 = tpu.memref_slice %arg2[%dma_start3A_28, %add3A_27] : memref<50x16384xi32, #tpu.memory_space<hbm>> -> memref<1x128xi32, #tpu.memory_space<hbm>>
    %dma_start3A_32 = tpu.memref_squeeze %dma_start3A_31 : memref<1x128xi32, #tpu.memory_space<hbm>> -> memref<128xi32, #tpu.memory_space<hbm>>
    tpu.enqueue_dma source(%dma_start3A_32 : memref<128xi32, #tpu.memory_space<hbm>>) target(%arg5 : memref<128xi32, #tpu.memory_space<vmem>>) target_semaphore(%arg9 : memref<!tpu.dma_semaphore, #tpu.memory_space<semaphore_mem>>)
    %add3A_33 = arith.constant 0 : i32
    %add3A_34 = arith.addi %mul3A_2, %add3A_33 : i32
    %dma_start3A_35 = arith.constant 0 : i32
    %dma_start3A_36 = arith.constant 0 : i32
    %dma_start3A_37 = tpu.memref_slice %arg4[%add3A_34, %dma_start3A_35, %dma_start3A_36] : memref<16384x50x128xf32, #tpu.memory_space<hbm>> -> memref<128x1x128xf32, #tpu.memory_space<hbm>>
    %dma_start3A_38 = tpu.memref_squeeze %dma_start3A_37 : memref<128x1x128xf32, #tpu.memory_space<hbm>> -> memref<128x128xf32, #tpu.memory_space<hbm>>
    %dma_start3A_39 = arith.constant 0 : i32
    %dma_start3A_40 = tpu.memref_slice %arg4[%add3A_34, %dma_start3A_35, %dma_start3A_39] : memref<16384x50x128xf32, #tpu.memory_space<hbm>> -> memref<128x1x128xf32, #tpu.memory_space<hbm>>
    %dma_start3A_41 = tpu.memref_squeeze %dma_start3A_40 : memref<128x1x128xf32, #tpu.memory_space<hbm>> -> memref<128x128xf32, #tpu.memory_space<hbm>>
    tpu.enqueue_dma source(%arg7 : memref<128x128xf32, #tpu.memory_space<vmem>>) target(%dma_start3A_41 : memref<128x128xf32, #tpu.memory_space<hbm>>) target_semaphore(%arg13 : memref<!tpu.dma_semaphore, #tpu.memory_space<semaphore_mem>>)
    %add3A_42 = arith.constant 256 : i32
    %add3A_43 = arith.addi %mul3A_2, %add3A_42 : i32
    %dma_wait3A_44 = arith.constant 0 : i32
    %dma_wait3A_45 = tpu.memref_slice %arg2[%dma_wait3A_44, %add3A_43] : memref<50x16384xi32, #tpu.memory_space<hbm>> -> memref<1x128xi32, #tpu.memory_space<hbm>>
    %dma_wait3A_46 = tpu.memref_squeeze %dma_wait3A_45 : memref<1x128xi32, #tpu.memory_space<hbm>> -> memref<128xi32, #tpu.memory_space<hbm>>
    %dma_wait3A_47 = tpu.memref_slice %arg2[%dma_wait3A_44, %add3A_43] : memref<50x16384xi32, #tpu.memory_space<hbm>> -> memref<1x128xi32, #tpu.memory_space<hbm>>
    %dma_wait3A_48 = tpu.memref_squeeze %dma_wait3A_47 : memref<1x128xi32, #tpu.memory_space<hbm>> -> memref<128xi32, #tpu.memory_space<hbm>>
    tpu.wait_dma2 semaphore(%arg9 : memref<!tpu.dma_semaphore, #tpu.memory_space<semaphore_mem>>) src(%dma_wait3A_48 : memref<128xi32, #tpu.memory_space<hbm>>) dst(%arg5 : memref<128xi32, #tpu.memory_space<vmem>>)
    %dma_wait3A_49 = arith.constant 0 : i32
    %dma_wait3A_50 = arith.constant 0 : i32
    %dma_wait3A_51 = tpu.memref_slice %arg3[%dma_wait3A_49, %dma_wait3A_50] : memref<1000000x128xf32, #tpu.memory_space<hbm>> -> memref<1000000x128xf32, #tpu.memory_space<hbm>>
    tpu.wait_indirect_dma semaphore(%arg12 : memref<!tpu.dma_semaphore, #tpu.memory_space<semaphore_mem>>) src(%dma_wait3A_51 : memref<1000000x128xf32, #tpu.memory_space<hbm>>) dst(%arg8 : memref<128x128xf32, #tpu.memory_space<vmem>>)
    %add3A_52 = arith.constant 128 : i32
    %add3A_53 = arith.addi %mul3A_2, %add3A_52 : i32
    %dma_start3A_54 = arith.constant 0 : i32
    %dma_start3A_55 = arith.constant 0 : i32
    %dma_start3A_56 = tpu.memref_slice %arg4[%add3A_53, %dma_start3A_54, %dma_start3A_55] : memref<16384x50x128xf32, #tpu.memory_space<hbm>> -> memref<128x1x128xf32, #tpu.memory_space<hbm>>
    %dma_start3A_57 = tpu.memref_squeeze %dma_start3A_56 : memref<128x1x128xf32, #tpu.memory_space<hbm>> -> memref<128x128xf32, #tpu.memory_space<hbm>>
    %dma_start3A_58 = arith.constant 0 : i32
    %dma_start3A_59 = tpu.memref_slice %arg4[%add3A_53, %dma_start3A_54, %dma_start3A_58] : memref<16384x50x128xf32, #tpu.memory_space<hbm>> -> memref<128x1x128xf32, #tpu.memory_space<hbm>>
    %dma_start3A_60 = tpu.memref_squeeze %dma_start3A_59 : memref<128x1x128xf32, #tpu.memory_space<hbm>> -> memref<128x128xf32, #tpu.memory_space<hbm>>
    tpu.enqueue_dma source(%arg8 : memref<128x128xf32, #tpu.memory_space<vmem>>) target(%dma_start3A_60 : memref<128x128xf32, #tpu.memory_space<hbm>>) target_semaphore(%arg14 : memref<!tpu.dma_semaphore, #tpu.memory_space<semaphore_mem>>)
    %scan3A = arith.constant 0 : i32
    %scan3A_61 = arith.constant 1 : i32
    %scan3A_62 = arith.constant 98 : i32
    %scan3A_63 = arith.addi %scan3A_61, %scan3A_62 : i32
    %scan3A_64 = arith.constant 1 : i32
    scf.for %scan3A_146 = %scan3A_61 to %scan3A_63 step %scan3A_64  : i32 {
      %mul3A_147 = arith.constant 2 : i32
      %mul3A_148 = arith.muli %mul3A_147, %scan3A_146 : i32
      %sub3A = arith.constant 2 : i32
      %sub3A_149 = arith.subi %mul3A_148, %sub3A : i32
      %jit3A = arith.constant 4 : i32
      %div3A = arith.divsi %sub3A_149, %jit3A : i32
      %sign3A = arith.constant 0 : i32
      %sign3A_150 = arith.cmpi sgt, %sub3A_149, %sign3A : i32
      %sign3A_151 = arith.extui %sign3A_150 : i1 to i32
      %sign3A_152 = arith.constant 0 : i32
      %sign3A_153 = arith.cmpi slt, %sub3A_149, %sign3A_152 : i32
      %sign3A_154 = arith.extui %sign3A_153 : i1 to i32
      %sign3A_155 = arith.subi %sign3A_151, %sign3A_154 : i32
      %sign3A_156 = arith.constant 0 : i32
      %sign3A_157 = arith.cmpi sgt, %jit3A, %sign3A_156 : i32
      %sign3A_158 = arith.extui %sign3A_157 : i1 to i32
      %sign3A_159 = arith.constant 0 : i32
      %sign3A_160 = arith.cmpi slt, %jit3A, %sign3A_159 : i32
      %sign3A_161 = arith.extui %sign3A_160 : i1 to i32
      %sign3A_162 = arith.subi %sign3A_158, %sign3A_161 : i32
      %ne3A = arith.cmpi ne, %sign3A_155, %sign3A_162 : i32
      %rem3A = arith.remsi %sub3A_149, %jit3A : i32
      %ne3A_163 = arith.constant 0 : i32
      %ne3A_164 = arith.cmpi ne, %rem3A, %ne3A_163 : i32
      %and3A = arith.andi %ne3A, %ne3A_164 : i1
      %sub3A_165 = arith.constant 1 : i32
      %sub3A_166 = arith.subi %div3A, %sub3A_165 : i32
      %select_n3A = arith.select %and3A, %sub3A_166, %div3A : i32
      %jit3A_167 = arith.constant 4 : i32
      %eq3A = arith.constant 0 : i32
      %eq3A_168 = arith.cmpi eq, %jit3A_167, %eq3A : i32
      %jit3A_169 = arith.constant 1 : i32
      %select_n3A_170 = arith.select %eq3A_168, %jit3A_169, %jit3A_167 : i32
      %rem3A_171 = arith.remsi %sub3A_149, %select_n3A_170 : i32
      %ne3A_172 = arith.constant 0 : i32
      %ne3A_173 = arith.cmpi ne, %rem3A_171, %ne3A_172 : i32
      %lt3A = arith.constant 0 : i32
      %lt3A_174 = arith.cmpi slt, %rem3A_171, %lt3A : i32
      %lt3A_175 = arith.constant 0 : i32
      %lt3A_176 = arith.cmpi slt, %select_n3A_170, %lt3A_175 : i32
      %ne3A_177 = arith.xori %lt3A_174, %lt3A_176 : i1
      %and3A_178 = arith.andi %ne3A_177, %ne3A_173 : i1
      %add3A_179 = arith.addi %rem3A_171, %select_n3A_170 : i32
      %select_n3A_180 = arith.select %and3A_178, %add3A_179, %rem3A_171 : i32
      %mul3A_181 = arith.constant 128 : i32
      %mul3A_182 = arith.muli %select_n3A_180, %mul3A_181 : i32
      %add3A_183 = arith.addi %mul3A_2, %mul3A_182 : i32
      %dma_wait3A_184 = arith.constant 0 : i32
      %dma_wait3A_185 = tpu.memref_slice %arg4[%add3A_183, %select_n3A, %dma_wait3A_184] : memref<16384x50x128xf32, #tpu.memory_space<hbm>> -> memref<128x1x128xf32, #tpu.memory_space<hbm>>
      %dma_wait3A_186 = tpu.memref_squeeze %dma_wait3A_185 : memref<128x1x128xf32, #tpu.memory_space<hbm>> -> memref<128x128xf32, #tpu.memory_space<hbm>>
      %dma_wait3A_187 = arith.constant 0 : i32
      %dma_wait3A_188 = tpu.memref_slice %arg4[%add3A_183, %select_n3A, %dma_wait3A_187] : memref<16384x50x128xf32, #tpu.memory_space<hbm>> -> memref<128x1x128xf32, #tpu.memory_space<hbm>>
      %dma_wait3A_189 = tpu.memref_squeeze %dma_wait3A_188 : memref<128x1x128xf32, #tpu.memory_space<hbm>> -> memref<128x128xf32, #tpu.memory_space<hbm>>
      tpu.wait_dma2 semaphore(%arg13 : memref<!tpu.dma_semaphore, #tpu.memory_space<semaphore_mem>>) src(%arg7 : memref<128x128xf32, #tpu.memory_space<vmem>>) dst(%dma_wait3A_189 : memref<128x128xf32, #tpu.memory_space<hbm>>)
      %dma_start3A_190 = arith.constant 0 : i32
      %dma_start3A_191 = arith.constant 0 : i32
      %dma_start3A_192 = tpu.memref_slice %arg3[%dma_start3A_190, %dma_start3A_191] : memref<1000000x128xf32, #tpu.memory_space<hbm>> -> memref<1000000x128xf32, #tpu.memory_space<hbm>>
      tpu.enqueue_indirect_dma source(%dma_start3A_192 : memref<1000000x128xf32, #tpu.memory_space<hbm>>) target(%arg7 : memref<128x128xf32, #tpu.memory_space<vmem>>) offsets(%arg5 : memref<128xi32, #tpu.memory_space<vmem>>) semaphore(%arg11 : memref<!tpu.dma_semaphore, #tpu.memory_space<semaphore_mem>>)
      %add3A_193 = arith.constant 1 : i32
      %add3A_194 = arith.addi %mul3A_148, %add3A_193 : i32
      %jit3A_195 = arith.constant 4 : i32
      %div3A_196 = arith.divsi %add3A_194, %jit3A_195 : i32
      %sign3A_197 = arith.constant 0 : i32
      %sign3A_198 = arith.cmpi sgt, %add3A_194, %sign3A_197 : i32
      %sign3A_199 = arith.extui %sign3A_198 : i1 to i32
      %sign3A_200 = arith.constant 0 : i32
      %sign3A_201 = arith.cmpi slt, %add3A_194, %sign3A_200 : i32
      %sign3A_202 = arith.extui %sign3A_201 : i1 to i32
      %sign3A_203 = arith.subi %sign3A_199, %sign3A_202 : i32
      %sign3A_204 = arith.constant 0 : i32
      %sign3A_205 = arith.cmpi sgt, %jit3A_195, %sign3A_204 : i32
      %sign3A_206 = arith.extui %sign3A_205 : i1 to i32
      %sign3A_207 = arith.constant 0 : i32
      %sign3A_208 = arith.cmpi slt, %jit3A_195, %sign3A_207 : i32
      %sign3A_209 = arith.extui %sign3A_208 : i1 to i32
      %sign3A_210 = arith.subi %sign3A_206, %sign3A_209 : i32
      %ne3A_211 = arith.cmpi ne, %sign3A_203, %sign3A_210 : i32
      %rem3A_212 = arith.remsi %add3A_194, %jit3A_195 : i32
      %ne3A_213 = arith.constant 0 : i32
      %ne3A_214 = arith.cmpi ne, %rem3A_212, %ne3A_213 : i32
      %and3A_215 = arith.andi %ne3A_211, %ne3A_214 : i1
      %sub3A_216 = arith.constant 1 : i32
      %sub3A_217 = arith.subi %div3A_196, %sub3A_216 : i32
      %select_n3A_218 = arith.select %and3A_215, %sub3A_217, %div3A_196 : i32
      %jit3A_219 = arith.constant 4 : i32
      %eq3A_220 = arith.constant 0 : i32
      %eq3A_221 = arith.cmpi eq, %jit3A_219, %eq3A_220 : i32
      %jit3A_222 = arith.constant 1 : i32
      %select_n3A_223 = arith.select %eq3A_221, %jit3A_222, %jit3A_219 : i32
      %rem3A_224 = arith.remsi %add3A_194, %select_n3A_223 : i32
      %ne3A_225 = arith.constant 0 : i32
      %ne3A_226 = arith.cmpi ne, %rem3A_224, %ne3A_225 : i32
      %lt3A_227 = arith.constant 0 : i32
      %lt3A_228 = arith.cmpi slt, %rem3A_224, %lt3A_227 : i32
      %lt3A_229 = arith.constant 0 : i32
      %lt3A_230 = arith.cmpi slt, %select_n3A_223, %lt3A_229 : i32
      %ne3A_231 = arith.xori %lt3A_228, %lt3A_230 : i1
      %and3A_232 = arith.andi %ne3A_231, %ne3A_226 : i1
      %add3A_233 = arith.addi %rem3A_224, %select_n3A_223 : i32
      %select_n3A_234 = arith.select %and3A_232, %add3A_233, %rem3A_224 : i32
      %mul3A_235 = arith.constant 128 : i32
      %mul3A_236 = arith.muli %select_n3A_234, %mul3A_235 : i32
      %add3A_237 = arith.addi %mul3A_2, %mul3A_236 : i32
      %dma_start3A_238 = tpu.memref_slice %arg2[%select_n3A_218, %add3A_237] : memref<50x16384xi32, #tpu.memory_space<hbm>> -> memref<1x128xi32, #tpu.memory_space<hbm>>
      %dma_start3A_239 = tpu.memref_squeeze %dma_start3A_238 : memref<1x128xi32, #tpu.memory_space<hbm>> -> memref<128xi32, #tpu.memory_space<hbm>>
      %dma_start3A_240 = tpu.memref_slice %arg2[%select_n3A_218, %add3A_237] : memref<50x16384xi32, #tpu.memory_space<hbm>> -> memref<1x128xi32, #tpu.memory_space<hbm>>
      %dma_start3A_241 = tpu.memref_squeeze %dma_start3A_240 : memref<1x128xi32, #tpu.memory_space<hbm>> -> memref<128xi32, #tpu.memory_space<hbm>>
      tpu.enqueue_dma source(%dma_start3A_241 : memref<128xi32, #tpu.memory_space<hbm>>) target(%arg6 : memref<128xi32, #tpu.memory_space<vmem>>) target_semaphore(%arg10 : memref<!tpu.dma_semaphore, #tpu.memory_space<semaphore_mem>>)
      %add3A_242 = arith.constant 1 : i32
      %add3A_243 = arith.addi %mul3A_148, %add3A_242 : i32
      %jit3A_244 = arith.constant 4 : i32
      %div3A_245 = arith.divsi %add3A_243, %jit3A_244 : i32
      %sign3A_246 = arith.constant 0 : i32
      %sign3A_247 = arith.cmpi sgt, %add3A_243, %sign3A_246 : i32
      %sign3A_248 = arith.extui %sign3A_247 : i1 to i32
      %sign3A_249 = arith.constant 0 : i32
      %sign3A_250 = arith.cmpi slt, %add3A_243, %sign3A_249 : i32
      %sign3A_251 = arith.extui %sign3A_250 : i1 to i32
      %sign3A_252 = arith.subi %sign3A_248, %sign3A_251 : i32
      %sign3A_253 = arith.constant 0 : i32
      %sign3A_254 = arith.cmpi sgt, %jit3A_244, %sign3A_253 : i32
      %sign3A_255 = arith.extui %sign3A_254 : i1 to i32
      %sign3A_256 = arith.constant 0 : i32
      %sign3A_257 = arith.cmpi slt, %jit3A_244, %sign3A_256 : i32
      %sign3A_258 = arith.extui %sign3A_257 : i1 to i32
      %sign3A_259 = arith.subi %sign3A_255, %sign3A_258 : i32
      %ne3A_260 = arith.cmpi ne, %sign3A_252, %sign3A_259 : i32
      %rem3A_261 = arith.remsi %add3A_243, %jit3A_244 : i32
      %ne3A_262 = arith.constant 0 : i32
      %ne3A_263 = arith.cmpi ne, %rem3A_261, %ne3A_262 : i32
      %and3A_264 = arith.andi %ne3A_260, %ne3A_263 : i1
      %sub3A_265 = arith.constant 1 : i32
      %sub3A_266 = arith.subi %div3A_245, %sub3A_265 : i32
      %select_n3A_267 = arith.select %and3A_264, %sub3A_266, %div3A_245 : i32
      %jit3A_268 = arith.constant 4 : i32
      %eq3A_269 = arith.constant 0 : i32
      %eq3A_270 = arith.cmpi eq, %jit3A_268, %eq3A_269 : i32
      %jit3A_271 = arith.constant 1 : i32
      %select_n3A_272 = arith.select %eq3A_270, %jit3A_271, %jit3A_268 : i32
      %rem3A_273 = arith.remsi %add3A_243, %select_n3A_272 : i32
      %ne3A_274 = arith.constant 0 : i32
      %ne3A_275 = arith.cmpi ne, %rem3A_273, %ne3A_274 : i32
      %lt3A_276 = arith.constant 0 : i32
      %lt3A_277 = arith.cmpi slt, %rem3A_273, %lt3A_276 : i32
      %lt3A_278 = arith.constant 0 : i32
      %lt3A_279 = arith.cmpi slt, %select_n3A_272, %lt3A_278 : i32
      %ne3A_280 = arith.xori %lt3A_277, %lt3A_279 : i1
      %and3A_281 = arith.andi %ne3A_280, %ne3A_275 : i1
      %add3A_282 = arith.addi %rem3A_273, %select_n3A_272 : i32
      %select_n3A_283 = arith.select %and3A_281, %add3A_282, %rem3A_273 : i32
      %mul3A_284 = arith.constant 128 : i32
      %mul3A_285 = arith.muli %select_n3A_283, %mul3A_284 : i32
      %add3A_286 = arith.addi %mul3A_2, %mul3A_285 : i32
      %dma_wait3A_287 = tpu.memref_slice %arg2[%select_n3A_267, %add3A_286] : memref<50x16384xi32, #tpu.memory_space<hbm>> -> memref<1x128xi32, #tpu.memory_space<hbm>>
      %dma_wait3A_288 = tpu.memref_squeeze %dma_wait3A_287 : memref<1x128xi32, #tpu.memory_space<hbm>> -> memref<128xi32, #tpu.memory_space<hbm>>
      %dma_wait3A_289 = tpu.memref_slice %arg2[%select_n3A_267, %add3A_286] : memref<50x16384xi32, #tpu.memory_space<hbm>> -> memref<1x128xi32, #tpu.memory_space<hbm>>
      %dma_wait3A_290 = tpu.memref_squeeze %dma_wait3A_289 : memref<1x128xi32, #tpu.memory_space<hbm>> -> memref<128xi32, #tpu.memory_space<hbm>>
      tpu.wait_dma2 semaphore(%arg10 : memref<!tpu.dma_semaphore, #tpu.memory_space<semaphore_mem>>) src(%dma_wait3A_290 : memref<128xi32, #tpu.memory_space<hbm>>) dst(%arg6 : memref<128xi32, #tpu.memory_space<vmem>>)
      %sub3A_291 = arith.constant 1 : i32
      %sub3A_292 = arith.subi %mul3A_148, %sub3A_291 : i32
      %jit3A_293 = arith.constant 4 : i32
      %div3A_294 = arith.divsi %sub3A_292, %jit3A_293 : i32
      %sign3A_295 = arith.constant 0 : i32
      %sign3A_296 = arith.cmpi sgt, %sub3A_292, %sign3A_295 : i32
      %sign3A_297 = arith.extui %sign3A_296 : i1 to i32
      %sign3A_298 = arith.constant 0 : i32
      %sign3A_299 = arith.cmpi slt, %sub3A_292, %sign3A_298 : i32
      %sign3A_300 = arith.extui %sign3A_299 : i1 to i32
      %sign3A_301 = arith.subi %sign3A_297, %sign3A_300 : i32
      %sign3A_302 = arith.constant 0 : i32
      %sign3A_303 = arith.cmpi sgt, %jit3A_293, %sign3A_302 : i32
      %sign3A_304 = arith.extui %sign3A_303 : i1 to i32
      %sign3A_305 = arith.constant 0 : i32
      %sign3A_306 = arith.cmpi slt, %jit3A_293, %sign3A_305 : i32
      %sign3A_307 = arith.extui %sign3A_306 : i1 to i32
      %sign3A_308 = arith.subi %sign3A_304, %sign3A_307 : i32
      %ne3A_309 = arith.cmpi ne, %sign3A_301, %sign3A_308 : i32
      %rem3A_310 = arith.remsi %sub3A_292, %jit3A_293 : i32
      %ne3A_311 = arith.constant 0 : i32
      %ne3A_312 = arith.cmpi ne, %rem3A_310, %ne3A_311 : i32
      %and3A_313 = arith.andi %ne3A_309, %ne3A_312 : i1
      %sub3A_314 = arith.constant 1 : i32
      %sub3A_315 = arith.subi %div3A_294, %sub3A_314 : i32
      %select_n3A_316 = arith.select %and3A_313, %sub3A_315, %div3A_294 : i32
      %jit3A_317 = arith.constant 4 : i32
      %eq3A_318 = arith.constant 0 : i32
      %eq3A_319 = arith.cmpi eq, %jit3A_317, %eq3A_318 : i32
      %jit3A_320 = arith.constant 1 : i32
      %select_n3A_321 = arith.select %eq3A_319, %jit3A_320, %jit3A_317 : i32
      %rem3A_322 = arith.remsi %sub3A_292, %select_n3A_321 : i32
      %ne3A_323 = arith.constant 0 : i32
      %ne3A_324 = arith.cmpi ne, %rem3A_322, %ne3A_323 : i32
      %lt3A_325 = arith.constant 0 : i32
      %lt3A_326 = arith.cmpi slt, %rem3A_322, %lt3A_325 : i32
      %lt3A_327 = arith.constant 0 : i32
      %lt3A_328 = arith.cmpi slt, %select_n3A_321, %lt3A_327 : i32
      %ne3A_329 = arith.xori %lt3A_326, %lt3A_328 : i1
      %and3A_330 = arith.andi %ne3A_329, %ne3A_324 : i1
      %add3A_331 = arith.addi %rem3A_322, %select_n3A_321 : i32
      %select_n3A_332 = arith.select %and3A_330, %add3A_331, %rem3A_322 : i32
      %mul3A_333 = arith.constant 128 : i32
      %mul3A_334 = arith.muli %select_n3A_332, %mul3A_333 : i32
      %add3A_335 = arith.addi %mul3A_2, %mul3A_334 : i32
      %dma_wait3A_336 = arith.constant 0 : i32
      %dma_wait3A_337 = tpu.memref_slice %arg4[%add3A_335, %select_n3A_316, %dma_wait3A_336] : memref<16384x50x128xf32, #tpu.memory_space<hbm>> -> memref<128x1x128xf32, #tpu.memory_space<hbm>>
      %dma_wait3A_338 = tpu.memref_squeeze %dma_wait3A_337 : memref<128x1x128xf32, #tpu.memory_space<hbm>> -> memref<128x128xf32, #tpu.memory_space<hbm>>
      %dma_wait3A_339 = arith.constant 0 : i32
      %dma_wait3A_340 = tpu.memref_slice %arg4[%add3A_335, %select_n3A_316, %dma_wait3A_339] : memref<16384x50x128xf32, #tpu.memory_space<hbm>> -> memref<128x1x128xf32, #tpu.memory_space<hbm>>
      %dma_wait3A_341 = tpu.memref_squeeze %dma_wait3A_340 : memref<128x1x128xf32, #tpu.memory_space<hbm>> -> memref<128x128xf32, #tpu.memory_space<hbm>>
      tpu.wait_dma2 semaphore(%arg14 : memref<!tpu.dma_semaphore, #tpu.memory_space<semaphore_mem>>) src(%arg8 : memref<128x128xf32, #tpu.memory_space<vmem>>) dst(%dma_wait3A_341 : memref<128x128xf32, #tpu.memory_space<hbm>>)
      %dma_wait3A_342 = arith.constant 0 : i32
      %dma_wait3A_343 = arith.constant 0 : i32
      %dma_wait3A_344 = tpu.memref_slice %arg3[%dma_wait3A_342, %dma_wait3A_343] : memref<1000000x128xf32, #tpu.memory_space<hbm>> -> memref<1000000x128xf32, #tpu.memory_space<hbm>>
      tpu.wait_indirect_dma semaphore(%arg11 : memref<!tpu.dma_semaphore, #tpu.memory_space<semaphore_mem>>) src(%dma_wait3A_344 : memref<1000000x128xf32, #tpu.memory_space<hbm>>) dst(%arg7 : memref<128x128xf32, #tpu.memory_space<vmem>>)
      %dma_start3A_345 = arith.constant 0 : i32
      %dma_start3A_346 = arith.constant 0 : i32
      %dma_start3A_347 = tpu.memref_slice %arg3[%dma_start3A_345, %dma_start3A_346] : memref<1000000x128xf32, #tpu.memory_space<hbm>> -> memref<1000000x128xf32, #tpu.memory_space<hbm>>
      tpu.enqueue_indirect_dma source(%dma_start3A_347 : memref<1000000x128xf32, #tpu.memory_space<hbm>>) target(%arg8 : memref<128x128xf32, #tpu.memory_space<vmem>>) offsets(%arg6 : memref<128xi32, #tpu.memory_space<vmem>>) semaphore(%arg12 : memref<!tpu.dma_semaphore, #tpu.memory_space<semaphore_mem>>)
      %add3A_348 = arith.constant 2 : i32
      %add3A_349 = arith.addi %mul3A_148, %add3A_348 : i32
      %jit3A_350 = arith.constant 4 : i32
      %div3A_351 = arith.divsi %add3A_349, %jit3A_350 : i32
      %sign3A_352 = arith.constant 0 : i32
      %sign3A_353 = arith.cmpi sgt, %add3A_349, %sign3A_352 : i32
      %sign3A_354 = arith.extui %sign3A_353 : i1 to i32
      %sign3A_355 = arith.constant 0 : i32
      %sign3A_356 = arith.cmpi slt, %add3A_349, %sign3A_355 : i32
      %sign3A_357 = arith.extui %sign3A_356 : i1 to i32
      %sign3A_358 = arith.subi %sign3A_354, %sign3A_357 : i32
      %sign3A_359 = arith.constant 0 : i32
      %sign3A_360 = arith.cmpi sgt, %jit3A_350, %sign3A_359 : i32
      %sign3A_361 = arith.extui %sign3A_360 : i1 to i32
      %sign3A_362 = arith.constant 0 : i32
      %sign3A_363 = arith.cmpi slt, %jit3A_350, %sign3A_362 : i32
      %sign3A_364 = arith.extui %sign3A_363 : i1 to i32
      %sign3A_365 = arith.subi %sign3A_361, %sign3A_364 : i32
      %ne3A_366 = arith.cmpi ne, %sign3A_358, %sign3A_365 : i32
      %rem3A_367 = arith.remsi %add3A_349, %jit3A_350 : i32
      %ne3A_368 = arith.constant 0 : i32
      %ne3A_369 = arith.cmpi ne, %rem3A_367, %ne3A_368 : i32
      %and3A_370 = arith.andi %ne3A_366, %ne3A_369 : i1
      %sub3A_371 = arith.constant 1 : i32
      %sub3A_372 = arith.subi %div3A_351, %sub3A_371 : i32
      %select_n3A_373 = arith.select %and3A_370, %sub3A_372, %div3A_351 : i32
      %jit3A_374 = arith.constant 4 : i32
      %eq3A_375 = arith.constant 0 : i32
      %eq3A_376 = arith.cmpi eq, %jit3A_374, %eq3A_375 : i32
      %jit3A_377 = arith.constant 1 : i32
      %select_n3A_378 = arith.select %eq3A_376, %jit3A_377, %jit3A_374 : i32
      %rem3A_379 = arith.remsi %add3A_349, %select_n3A_378 : i32
      %ne3A_380 = arith.constant 0 : i32
      %ne3A_381 = arith.cmpi ne, %rem3A_379, %ne3A_380 : i32
      %lt3A_382 = arith.constant 0 : i32
      %lt3A_383 = arith.cmpi slt, %rem3A_379, %lt3A_382 : i32
      %lt3A_384 = arith.constant 0 : i32
      %lt3A_385 = arith.cmpi slt, %select_n3A_378, %lt3A_384 : i32
      %ne3A_386 = arith.xori %lt3A_383, %lt3A_385 : i1
      %and3A_387 = arith.andi %ne3A_386, %ne3A_381 : i1
      %add3A_388 = arith.addi %rem3A_379, %select_n3A_378 : i32
      %select_n3A_389 = arith.select %and3A_387, %add3A_388, %rem3A_379 : i32
      %mul3A_390 = arith.constant 128 : i32
      %mul3A_391 = arith.muli %select_n3A_389, %mul3A_390 : i32
      %add3A_392 = arith.addi %mul3A_2, %mul3A_391 : i32
      %dma_start3A_393 = tpu.memref_slice %arg2[%select_n3A_373, %add3A_392] : memref<50x16384xi32, #tpu.memory_space<hbm>> -> memref<1x128xi32, #tpu.memory_space<hbm>>
      %dma_start3A_394 = tpu.memref_squeeze %dma_start3A_393 : memref<1x128xi32, #tpu.memory_space<hbm>> -> memref<128xi32, #tpu.memory_space<hbm>>
      %dma_start3A_395 = tpu.memref_slice %arg2[%select_n3A_373, %add3A_392] : memref<50x16384xi32, #tpu.memory_space<hbm>> -> memref<1x128xi32, #tpu.memory_space<hbm>>
      %dma_start3A_396 = tpu.memref_squeeze %dma_start3A_395 : memref<1x128xi32, #tpu.memory_space<hbm>> -> memref<128xi32, #tpu.memory_space<hbm>>
      tpu.enqueue_dma source(%dma_start3A_396 : memref<128xi32, #tpu.memory_space<hbm>>) target(%arg5 : memref<128xi32, #tpu.memory_space<vmem>>) target_semaphore(%arg9 : memref<!tpu.dma_semaphore, #tpu.memory_space<semaphore_mem>>)
      %jit3A_397 = arith.constant 4 : i32
      %div3A_398 = arith.divsi %mul3A_148, %jit3A_397 : i32
      %sign3A_399 = arith.constant 0 : i32
      %sign3A_400 = arith.cmpi sgt, %mul3A_148, %sign3A_399 : i32
      %sign3A_401 = arith.extui %sign3A_400 : i1 to i32
      %sign3A_402 = arith.constant 0 : i32
      %sign3A_403 = arith.cmpi slt, %mul3A_148, %sign3A_402 : i32
      %sign3A_404 = arith.extui %sign3A_403 : i1 to i32
      %sign3A_405 = arith.subi %sign3A_401, %sign3A_404 : i32
      %sign3A_406 = arith.constant 0 : i32
      %sign3A_407 = arith.cmpi sgt, %jit3A_397, %sign3A_406 : i32
      %sign3A_408 = arith.extui %sign3A_407 : i1 to i32
      %sign3A_409 = arith.constant 0 : i32
      %sign3A_410 = arith.cmpi slt, %jit3A_397, %sign3A_409 : i32
      %sign3A_411 = arith.extui %sign3A_410 : i1 to i32
      %sign3A_412 = arith.subi %sign3A_408, %sign3A_411 : i32
      %ne3A_413 = arith.cmpi ne, %sign3A_405, %sign3A_412 : i32
      %rem3A_414 = arith.remsi %mul3A_148, %jit3A_397 : i32
      %ne3A_415 = arith.constant 0 : i32
      %ne3A_416 = arith.cmpi ne, %rem3A_414, %ne3A_415 : i32
      %and3A_417 = arith.andi %ne3A_413, %ne3A_416 : i1
      %sub3A_418 = arith.constant 1 : i32
      %sub3A_419 = arith.subi %div3A_398, %sub3A_418 : i32
      %select_n3A_420 = arith.select %and3A_417, %sub3A_419, %div3A_398 : i32
      %jit3A_421 = arith.constant 4 : i32
      %eq3A_422 = arith.constant 0 : i32
      %eq3A_423 = arith.cmpi eq, %jit3A_421, %eq3A_422 : i32
      %jit3A_424 = arith.constant 1 : i32
      %select_n3A_425 = arith.select %eq3A_423, %jit3A_424, %jit3A_421 : i32
      %rem3A_426 = arith.remsi %mul3A_148, %select_n3A_425 : i32
      %ne3A_427 = arith.constant 0 : i32
      %ne3A_428 = arith.cmpi ne, %rem3A_426, %ne3A_427 : i32
      %lt3A_429 = arith.constant 0 : i32
      %lt3A_430 = arith.cmpi slt, %rem3A_426, %lt3A_429 : i32
      %lt3A_431 = arith.constant 0 : i32
      %lt3A_432 = arith.cmpi slt, %select_n3A_425, %lt3A_431 : i32
      %ne3A_433 = arith.xori %lt3A_430, %lt3A_432 : i1
      %and3A_434 = arith.andi %ne3A_433, %ne3A_428 : i1
      %add3A_435 = arith.addi %rem3A_426, %select_n3A_425 : i32
      %select_n3A_436 = arith.select %and3A_434, %add3A_435, %rem3A_426 : i32
      %mul3A_437 = arith.constant 128 : i32
      %mul3A_438 = arith.muli %select_n3A_436, %mul3A_437 : i32
      %add3A_439 = arith.addi %mul3A_2, %mul3A_438 : i32
      %dma_start3A_440 = arith.constant 0 : i32
      %dma_start3A_441 = tpu.memref_slice %arg4[%add3A_439, %select_n3A_420, %dma_start3A_440] : memref<16384x50x128xf32, #tpu.memory_space<hbm>> -> memref<128x1x128xf32, #tpu.memory_space<hbm>>
      %dma_start3A_442 = tpu.memref_squeeze %dma_start3A_441 : memref<128x1x128xf32, #tpu.memory_space<hbm>> -> memref<128x128xf32, #tpu.memory_space<hbm>>
      %dma_start3A_443 = arith.constant 0 : i32
      %dma_start3A_444 = tpu.memref_slice %arg4[%add3A_439, %select_n3A_420, %dma_start3A_443] : memref<16384x50x128xf32, #tpu.memory_space<hbm>> -> memref<128x1x128xf32, #tpu.memory_space<hbm>>
      %dma_start3A_445 = tpu.memref_squeeze %dma_start3A_444 : memref<128x1x128xf32, #tpu.memory_space<hbm>> -> memref<128x128xf32, #tpu.memory_space<hbm>>
      tpu.enqueue_dma source(%arg7 : memref<128x128xf32, #tpu.memory_space<vmem>>) target(%dma_start3A_445 : memref<128x128xf32, #tpu.memory_space<hbm>>) target_semaphore(%arg13 : memref<!tpu.dma_semaphore, #tpu.memory_space<semaphore_mem>>)
      %add3A_446 = arith.constant 2 : i32
      %add3A_447 = arith.addi %mul3A_148, %add3A_446 : i32
      %jit3A_448 = arith.constant 4 : i32
      %div3A_449 = arith.divsi %add3A_447, %jit3A_448 : i32
      %sign3A_450 = arith.constant 0 : i32
      %sign3A_451 = arith.cmpi sgt, %add3A_447, %sign3A_450 : i32
      %sign3A_452 = arith.extui %sign3A_451 : i1 to i32
      %sign3A_453 = arith.constant 0 : i32
      %sign3A_454 = arith.cmpi slt, %add3A_447, %sign3A_453 : i32
      %sign3A_455 = arith.extui %sign3A_454 : i1 to i32
      %sign3A_456 = arith.subi %sign3A_452, %sign3A_455 : i32
      %sign3A_457 = arith.constant 0 : i32
      %sign3A_458 = arith.cmpi sgt, %jit3A_448, %sign3A_457 : i32
      %sign3A_459 = arith.extui %sign3A_458 : i1 to i32
      %sign3A_460 = arith.constant 0 : i32
      %sign3A_461 = arith.cmpi slt, %jit3A_448, %sign3A_460 : i32
      %sign3A_462 = arith.extui %sign3A_461 : i1 to i32
      %sign3A_463 = arith.subi %sign3A_459, %sign3A_462 : i32
      %ne3A_464 = arith.cmpi ne, %sign3A_456, %sign3A_463 : i32
      %rem3A_465 = arith.remsi %add3A_447, %jit3A_448 : i32
      %ne3A_466 = arith.constant 0 : i32
      %ne3A_467 = arith.cmpi ne, %rem3A_465, %ne3A_466 : i32
      %and3A_468 = arith.andi %ne3A_464, %ne3A_467 : i1
      %sub3A_469 = arith.constant 1 : i32
      %sub3A_470 = arith.subi %div3A_449, %sub3A_469 : i32
      %select_n3A_471 = arith.select %and3A_468, %sub3A_470, %div3A_449 : i32
      %jit3A_472 = arith.constant 4 : i32
      %eq3A_473 = arith.constant 0 : i32
      %eq3A_474 = arith.cmpi eq, %jit3A_472, %eq3A_473 : i32
      %jit3A_475 = arith.constant 1 : i32
      %select_n3A_476 = arith.select %eq3A_474, %jit3A_475, %jit3A_472 : i32
      %rem3A_477 = arith.remsi %add3A_447, %select_n3A_476 : i32
      %ne3A_478 = arith.constant 0 : i32
      %ne3A_479 = arith.cmpi ne, %rem3A_477, %ne3A_478 : i32
      %lt3A_480 = arith.constant 0 : i32
      %lt3A_481 = arith.cmpi slt, %rem3A_477, %lt3A_480 : i32
      %lt3A_482 = arith.constant 0 : i32
      %lt3A_483 = arith.cmpi slt, %select_n3A_476, %lt3A_482 : i32
      %ne3A_484 = arith.xori %lt3A_481, %lt3A_483 : i1
      %and3A_485 = arith.andi %ne3A_484, %ne3A_479 : i1
      %add3A_486 = arith.addi %rem3A_477, %select_n3A_476 : i32
      %select_n3A_487 = arith.select %and3A_485, %add3A_486, %rem3A_477 : i32
      %mul3A_488 = arith.constant 128 : i32
      %mul3A_489 = arith.muli %select_n3A_487, %mul3A_488 : i32
      %add3A_490 = arith.addi %mul3A_2, %mul3A_489 : i32
      %dma_wait3A_491 = tpu.memref_slice %arg2[%select_n3A_471, %add3A_490] : memref<50x16384xi32, #tpu.memory_space<hbm>> -> memref<1x128xi32, #tpu.memory_space<hbm>>
      %dma_wait3A_492 = tpu.memref_squeeze %dma_wait3A_491 : memref<1x128xi32, #tpu.memory_space<hbm>> -> memref<128xi32, #tpu.memory_space<hbm>>
      %dma_wait3A_493 = tpu.memref_slice %arg2[%select_n3A_471, %add3A_490] : memref<50x16384xi32, #tpu.memory_space<hbm>> -> memref<1x128xi32, #tpu.memory_space<hbm>>
      %dma_wait3A_494 = tpu.memref_squeeze %dma_wait3A_493 : memref<1x128xi32, #tpu.memory_space<hbm>> -> memref<128xi32, #tpu.memory_space<hbm>>
      tpu.wait_dma2 semaphore(%arg9 : memref<!tpu.dma_semaphore, #tpu.memory_space<semaphore_mem>>) src(%dma_wait3A_494 : memref<128xi32, #tpu.memory_space<hbm>>) dst(%arg5 : memref<128xi32, #tpu.memory_space<vmem>>)
      %dma_wait3A_495 = arith.constant 0 : i32
      %dma_wait3A_496 = arith.constant 0 : i32
      %dma_wait3A_497 = tpu.memref_slice %arg3[%dma_wait3A_495, %dma_wait3A_496] : memref<1000000x128xf32, #tpu.memory_space<hbm>> -> memref<1000000x128xf32, #tpu.memory_space<hbm>>
      tpu.wait_indirect_dma semaphore(%arg12 : memref<!tpu.dma_semaphore, #tpu.memory_space<semaphore_mem>>) src(%dma_wait3A_497 : memref<1000000x128xf32, #tpu.memory_space<hbm>>) dst(%arg8 : memref<128x128xf32, #tpu.memory_space<vmem>>)
      %add3A_498 = arith.constant 1 : i32
      %add3A_499 = arith.addi %mul3A_148, %add3A_498 : i32
      %jit3A_500 = arith.constant 4 : i32
      %div3A_501 = arith.divsi %add3A_499, %jit3A_500 : i32
      %sign3A_502 = arith.constant 0 : i32
      %sign3A_503 = arith.cmpi sgt, %add3A_499, %sign3A_502 : i32
      %sign3A_504 = arith.extui %sign3A_503 : i1 to i32
      %sign3A_505 = arith.constant 0 : i32
      %sign3A_506 = arith.cmpi slt, %add3A_499, %sign3A_505 : i32
      %sign3A_507 = arith.extui %sign3A_506 : i1 to i32
      %sign3A_508 = arith.subi %sign3A_504, %sign3A_507 : i32
      %sign3A_509 = arith.constant 0 : i32
      %sign3A_510 = arith.cmpi sgt, %jit3A_500, %sign3A_509 : i32
      %sign3A_511 = arith.extui %sign3A_510 : i1 to i32
      %sign3A_512 = arith.constant 0 : i32
      %sign3A_513 = arith.cmpi slt, %jit3A_500, %sign3A_512 : i32
      %sign3A_514 = arith.extui %sign3A_513 : i1 to i32
      %sign3A_515 = arith.subi %sign3A_511, %sign3A_514 : i32
      %ne3A_516 = arith.cmpi ne, %sign3A_508, %sign3A_515 : i32
      %rem3A_517 = arith.remsi %add3A_499, %jit3A_500 : i32
      %ne3A_518 = arith.constant 0 : i32
      %ne3A_519 = arith.cmpi ne, %rem3A_517, %ne3A_518 : i32
      %and3A_520 = arith.andi %ne3A_516, %ne3A_519 : i1
      %sub3A_521 = arith.constant 1 : i32
      %sub3A_522 = arith.subi %div3A_501, %sub3A_521 : i32
      %select_n3A_523 = arith.select %and3A_520, %sub3A_522, %div3A_501 : i32
      %jit3A_524 = arith.constant 4 : i32
      %eq3A_525 = arith.constant 0 : i32
      %eq3A_526 = arith.cmpi eq, %jit3A_524, %eq3A_525 : i32
      %jit3A_527 = arith.constant 1 : i32
      %select_n3A_528 = arith.select %eq3A_526, %jit3A_527, %jit3A_524 : i32
      %rem3A_529 = arith.remsi %add3A_499, %select_n3A_528 : i32
      %ne3A_530 = arith.constant 0 : i32
      %ne3A_531 = arith.cmpi ne, %rem3A_529, %ne3A_530 : i32
      %lt3A_532 = arith.constant 0 : i32
      %lt3A_533 = arith.cmpi slt, %rem3A_529, %lt3A_532 : i32
      %lt3A_534 = arith.constant 0 : i32
      %lt3A_535 = arith.cmpi slt, %select_n3A_528, %lt3A_534 : i32
      %ne3A_536 = arith.xori %lt3A_533, %lt3A_535 : i1
      %and3A_537 = arith.andi %ne3A_536, %ne3A_531 : i1
      %add3A_538 = arith.addi %rem3A_529, %select_n3A_528 : i32
      %select_n3A_539 = arith.select %and3A_537, %add3A_538, %rem3A_529 : i32
      %mul3A_540 = arith.constant 128 : i32
      %mul3A_541 = arith.muli %select_n3A_539, %mul3A_540 : i32
      %add3A_542 = arith.addi %mul3A_2, %mul3A_541 : i32
      %dma_start3A_543 = arith.constant 0 : i32
      %dma_start3A_544 = tpu.memref_slice %arg4[%add3A_542, %select_n3A_523, %dma_start3A_543] : memref<16384x50x128xf32, #tpu.memory_space<hbm>> -> memref<128x1x128xf32, #tpu.memory_space<hbm>>
      %dma_start3A_545 = tpu.memref_squeeze %dma_start3A_544 : memref<128x1x128xf32, #tpu.memory_space<hbm>> -> memref<128x128xf32, #tpu.memory_space<hbm>>
      %dma_start3A_546 = arith.constant 0 : i32
      %dma_start3A_547 = tpu.memref_slice %arg4[%add3A_542, %select_n3A_523, %dma_start3A_546] : memref<16384x50x128xf32, #tpu.memory_space<hbm>> -> memref<128x1x128xf32, #tpu.memory_space<hbm>>
      %dma_start3A_548 = tpu.memref_squeeze %dma_start3A_547 : memref<128x1x128xf32, #tpu.memory_space<hbm>> -> memref<128x128xf32, #tpu.memory_space<hbm>>
      tpu.enqueue_dma source(%arg8 : memref<128x128xf32, #tpu.memory_space<vmem>>) target(%dma_start3A_548 : memref<128x128xf32, #tpu.memory_space<hbm>>) target_semaphore(%arg14 : memref<!tpu.dma_semaphore, #tpu.memory_space<semaphore_mem>>)
    }
    %scan3A_65 = arith.constant 98 : i32
    %add3A_66 = arith.constant 0 : i32
    %add3A_67 = arith.addi %mul3A_2, %add3A_66 : i32
    %dma_wait3A_68 = arith.constant 49 : i32
    %dma_wait3A_69 = arith.constant 0 : i32
    %dma_wait3A_70 = tpu.memref_slice %arg4[%add3A_67, %dma_wait3A_68, %dma_wait3A_69] : memref<16384x50x128xf32, #tpu.memory_space<hbm>> -> memref<128x1x128xf32, #tpu.memory_space<hbm>>
    %dma_wait3A_71 = tpu.memref_squeeze %dma_wait3A_70 : memref<128x1x128xf32, #tpu.memory_space<hbm>> -> memref<128x128xf32, #tpu.memory_space<hbm>>
    %dma_wait3A_72 = arith.constant 0 : i32
    %dma_wait3A_73 = tpu.memref_slice %arg4[%add3A_67, %dma_wait3A_68, %dma_wait3A_72] : memref<16384x50x128xf32, #tpu.memory_space<hbm>> -> memref<128x1x128xf32, #tpu.memory_space<hbm>>
    %dma_wait3A_74 = tpu.memref_squeeze %dma_wait3A_73 : memref<128x1x128xf32, #tpu.memory_space<hbm>> -> memref<128x128xf32, #tpu.memory_space<hbm>>
    tpu.wait_dma2 semaphore(%arg13 : memref<!tpu.dma_semaphore, #tpu.memory_space<semaphore_mem>>) src(%arg7 : memref<128x128xf32, #tpu.memory_space<vmem>>) dst(%dma_wait3A_74 : memref<128x128xf32, #tpu.memory_space<hbm>>)
    %dma_start3A_75 = arith.constant 0 : i32
    %dma_start3A_76 = arith.constant 0 : i32
    %dma_start3A_77 = tpu.memref_slice %arg3[%dma_start3A_75, %dma_start3A_76] : memref<1000000x128xf32, #tpu.memory_space<hbm>> -> memref<1000000x128xf32, #tpu.memory_space<hbm>>
    tpu.enqueue_indirect_dma source(%dma_start3A_77 : memref<1000000x128xf32, #tpu.memory_space<hbm>>) target(%arg7 : memref<128x128xf32, #tpu.memory_space<vmem>>) offsets(%arg5 : memref<128xi32, #tpu.memory_space<vmem>>) semaphore(%arg11 : memref<!tpu.dma_semaphore, #tpu.memory_space<semaphore_mem>>)
    %add3A_78 = arith.constant 384 : i32
    %add3A_79 = arith.addi %mul3A_2, %add3A_78 : i32
    %dma_start3A_80 = arith.constant 49 : i32
    %dma_start3A_81 = tpu.memref_slice %arg2[%dma_start3A_80, %add3A_79] : memref<50x16384xi32, #tpu.memory_space<hbm>> -> memref<1x128xi32, #tpu.memory_space<hbm>>
    %dma_start3A_82 = tpu.memref_squeeze %dma_start3A_81 : memref<1x128xi32, #tpu.memory_space<hbm>> -> memref<128xi32, #tpu.memory_space<hbm>>
    %dma_start3A_83 = tpu.memref_slice %arg2[%dma_start3A_80, %add3A_79] : memref<50x16384xi32, #tpu.memory_space<hbm>> -> memref<1x128xi32, #tpu.memory_space<hbm>>
    %dma_start3A_84 = tpu.memref_squeeze %dma_start3A_83 : memref<1x128xi32, #tpu.memory_space<hbm>> -> memref<128xi32, #tpu.memory_space<hbm>>
    tpu.enqueue_dma source(%dma_start3A_84 : memref<128xi32, #tpu.memory_space<hbm>>) target(%arg6 : memref<128xi32, #tpu.memory_space<vmem>>) target_semaphore(%arg10 : memref<!tpu.dma_semaphore, #tpu.memory_space<semaphore_mem>>)
    %add3A_85 = arith.constant 384 : i32
    %add3A_86 = arith.addi %mul3A_2, %add3A_85 : i32
    %dma_wait3A_87 = arith.constant 49 : i32
    %dma_wait3A_88 = tpu.memref_slice %arg2[%dma_wait3A_87, %add3A_86] : memref<50x16384xi32, #tpu.memory_space<hbm>> -> memref<1x128xi32, #tpu.memory_space<hbm>>
    %dma_wait3A_89 = tpu.memref_squeeze %dma_wait3A_88 : memref<1x128xi32, #tpu.memory_space<hbm>> -> memref<128xi32, #tpu.memory_space<hbm>>
    %dma_wait3A_90 = tpu.memref_slice %arg2[%dma_wait3A_87, %add3A_86] : memref<50x16384xi32, #tpu.memory_space<hbm>> -> memref<1x128xi32, #tpu.memory_space<hbm>>
    %dma_wait3A_91 = tpu.memref_squeeze %dma_wait3A_90 : memref<1x128xi32, #tpu.memory_space<hbm>> -> memref<128xi32, #tpu.memory_space<hbm>>
    tpu.wait_dma2 semaphore(%arg10 : memref<!tpu.dma_semaphore, #tpu.memory_space<semaphore_mem>>) src(%dma_wait3A_91 : memref<128xi32, #tpu.memory_space<hbm>>) dst(%arg6 : memref<128xi32, #tpu.memory_space<vmem>>)
    %add3A_92 = arith.constant 128 : i32
    %add3A_93 = arith.addi %mul3A_2, %add3A_92 : i32
    %dma_wait3A_94 = arith.constant 49 : i32
    %dma_wait3A_95 = arith.constant 0 : i32
    %dma_wait3A_96 = tpu.memref_slice %arg4[%add3A_93, %dma_wait3A_94, %dma_wait3A_95] : memref<16384x50x128xf32, #tpu.memory_space<hbm>> -> memref<128x1x128xf32, #tpu.memory_space<hbm>>
    %dma_wait3A_97 = tpu.memref_squeeze %dma_wait3A_96 : memref<128x1x128xf32, #tpu.memory_space<hbm>> -> memref<128x128xf32, #tpu.memory_space<hbm>>
    %dma_wait3A_98 = arith.constant 0 : i32
    %dma_wait3A_99 = tpu.memref_slice %arg4[%add3A_93, %dma_wait3A_94, %dma_wait3A_98] : memref<16384x50x128xf32, #tpu.memory_space<hbm>> -> memref<128x1x128xf32, #tpu.memory_space<hbm>>
    %dma_wait3A_100 = tpu.memref_squeeze %dma_wait3A_99 : memref<128x1x128xf32, #tpu.memory_space<hbm>> -> memref<128x128xf32, #tpu.memory_space<hbm>>
    tpu.wait_dma2 semaphore(%arg14 : memref<!tpu.dma_semaphore, #tpu.memory_space<semaphore_mem>>) src(%arg8 : memref<128x128xf32, #tpu.memory_space<vmem>>) dst(%dma_wait3A_100 : memref<128x128xf32, #tpu.memory_space<hbm>>)
    %dma_wait3A_101 = arith.constant 0 : i32
    %dma_wait3A_102 = arith.constant 0 : i32
    %dma_wait3A_103 = tpu.memref_slice %arg3[%dma_wait3A_101, %dma_wait3A_102] : memref<1000000x128xf32, #tpu.memory_space<hbm>> -> memref<1000000x128xf32, #tpu.memory_space<hbm>>
    tpu.wait_indirect_dma semaphore(%arg11 : memref<!tpu.dma_semaphore, #tpu.memory_space<semaphore_mem>>) src(%dma_wait3A_103 : memref<1000000x128xf32, #tpu.memory_space<hbm>>) dst(%arg7 : memref<128x128xf32, #tpu.memory_space<vmem>>)
    %dma_start3A_104 = arith.constant 0 : i32
    %dma_start3A_105 = arith.constant 0 : i32
    %dma_start3A_106 = tpu.memref_slice %arg3[%dma_start3A_104, %dma_start3A_105] : memref<1000000x128xf32, #tpu.memory_space<hbm>> -> memref<1000000x128xf32, #tpu.memory_space<hbm>>
    tpu.enqueue_indirect_dma source(%dma_start3A_106 : memref<1000000x128xf32, #tpu.memory_space<hbm>>) target(%arg8 : memref<128x128xf32, #tpu.memory_space<vmem>>) offsets(%arg6 : memref<128xi32, #tpu.memory_space<vmem>>) semaphore(%arg12 : memref<!tpu.dma_semaphore, #tpu.memory_space<semaphore_mem>>)
    %add3A_107 = arith.constant 256 : i32
    %add3A_108 = arith.addi %mul3A_2, %add3A_107 : i32
    %dma_start3A_109 = arith.constant 49 : i32
    %dma_start3A_110 = arith.constant 0 : i32
    %dma_start3A_111 = tpu.memref_slice %arg4[%add3A_108, %dma_start3A_109, %dma_start3A_110] : memref<16384x50x128xf32, #tpu.memory_space<hbm>> -> memref<128x1x128xf32, #tpu.memory_space<hbm>>
    %dma_start3A_112 = tpu.memref_squeeze %dma_start3A_111 : memref<128x1x128xf32, #tpu.memory_space<hbm>> -> memref<128x128xf32, #tpu.memory_space<hbm>>
    %dma_start3A_113 = arith.constant 0 : i32
    %dma_start3A_114 = tpu.memref_slice %arg4[%add3A_108, %dma_start3A_109, %dma_start3A_113] : memref<16384x50x128xf32, #tpu.memory_space<hbm>> -> memref<128x1x128xf32, #tpu.memory_space<hbm>>
    %dma_start3A_115 = tpu.memref_squeeze %dma_start3A_114 : memref<128x1x128xf32, #tpu.memory_space<hbm>> -> memref<128x128xf32, #tpu.memory_space<hbm>>
    tpu.enqueue_dma source(%arg7 : memref<128x128xf32, #tpu.memory_space<vmem>>) target(%dma_start3A_115 : memref<128x128xf32, #tpu.memory_space<hbm>>) target_semaphore(%arg13 : memref<!tpu.dma_semaphore, #tpu.memory_space<semaphore_mem>>)
    %dma_wait3A_116 = arith.constant 0 : i32
    %dma_wait3A_117 = arith.constant 0 : i32
    %dma_wait3A_118 = tpu.memref_slice %arg3[%dma_wait3A_116, %dma_wait3A_117] : memref<1000000x128xf32, #tpu.memory_space<hbm>> -> memref<1000000x128xf32, #tpu.memory_space<hbm>>
    tpu.wait_indirect_dma semaphore(%arg12 : memref<!tpu.dma_semaphore, #tpu.memory_space<semaphore_mem>>) src(%dma_wait3A_118 : memref<1000000x128xf32, #tpu.memory_space<hbm>>) dst(%arg8 : memref<128x128xf32, #tpu.memory_space<vmem>>)
    %add3A_119 = arith.constant 384 : i32
    %add3A_120 = arith.addi %mul3A_2, %add3A_119 : i32
    %dma_start3A_121 = arith.constant 49 : i32
    %dma_start3A_122 = arith.constant 0 : i32
    %dma_start3A_123 = tpu.memref_slice %arg4[%add3A_120, %dma_start3A_121, %dma_start3A_122] : memref<16384x50x128xf32, #tpu.memory_space<hbm>> -> memref<128x1x128xf32, #tpu.memory_space<hbm>>
    %dma_start3A_124 = tpu.memref_squeeze %dma_start3A_123 : memref<128x1x128xf32, #tpu.memory_space<hbm>> -> memref<128x128xf32, #tpu.memory_space<hbm>>
    %dma_start3A_125 = arith.constant 0 : i32
    %dma_start3A_126 = tpu.memref_slice %arg4[%add3A_120, %dma_start3A_121, %dma_start3A_125] : memref<16384x50x128xf32, #tpu.memory_space<hbm>> -> memref<128x1x128xf32, #tpu.memory_space<hbm>>
    %dma_start3A_127 = tpu.memref_squeeze %dma_start3A_126 : memref<128x1x128xf32, #tpu.memory_space<hbm>> -> memref<128x128xf32, #tpu.memory_space<hbm>>
    tpu.enqueue_dma source(%arg8 : memref<128x128xf32, #tpu.memory_space<vmem>>) target(%dma_start3A_127 : memref<128x128xf32, #tpu.memory_space<hbm>>) target_semaphore(%arg14 : memref<!tpu.dma_semaphore, #tpu.memory_space<semaphore_mem>>)
    %add3A_128 = arith.constant 256 : i32
    %add3A_129 = arith.addi %mul3A_2, %add3A_128 : i32
    %dma_wait3A_130 = arith.constant 49 : i32
    %dma_wait3A_131 = arith.constant 0 : i32
    %dma_wait3A_132 = tpu.memref_slice %arg4[%add3A_129, %dma_wait3A_130, %dma_wait3A_131] : memref<16384x50x128xf32, #tpu.memory_space<hbm>> -> memref<128x1x128xf32, #tpu.memory_space<hbm>>
    %dma_wait3A_133 = tpu.memref_squeeze %dma_wait3A_132 : memref<128x1x128xf32, #tpu.memory_space<hbm>> -> memref<128x128xf32, #tpu.memory_space<hbm>>
    %dma_wait3A_134 = arith.constant 0 : i32
    %dma_wait3A_135 = tpu.memref_slice %arg4[%add3A_129, %dma_wait3A_130, %dma_wait3A_134] : memref<16384x50x128xf32, #tpu.memory_space<hbm>> -> memref<128x1x128xf32, #tpu.memory_space<hbm>>
    %dma_wait3A_136 = tpu.memref_squeeze %dma_wait3A_135 : memref<128x1x128xf32, #tpu.memory_space<hbm>> -> memref<128x128xf32, #tpu.memory_space<hbm>>
    tpu.wait_dma2 semaphore(%arg13 : memref<!tpu.dma_semaphore, #tpu.memory_space<semaphore_mem>>) src(%arg7 : memref<128x128xf32, #tpu.memory_space<vmem>>) dst(%dma_wait3A_136 : memref<128x128xf32, #tpu.memory_space<hbm>>)
    %add3A_137 = arith.constant 384 : i32
    %add3A_138 = arith.addi %mul3A_2, %add3A_137 : i32
    %dma_wait3A_139 = arith.constant 49 : i32
    %dma_wait3A_140 = arith.constant 0 : i32
    %dma_wait3A_141 = tpu.memref_slice %arg4[%add3A_138, %dma_wait3A_139, %dma_wait3A_140] : memref<16384x50x128xf32, #tpu.memory_space<hbm>> -> memref<128x1x128xf32, #tpu.memory_space<hbm>>
    %dma_wait3A_142 = tpu.memref_squeeze %dma_wait3A_141 : memref<128x1x128xf32, #tpu.memory_space<hbm>> -> memref<128x128xf32, #tpu.memory_space<hbm>>
    %dma_wait3A_143 = arith.constant 0 : i32
    %dma_wait3A_144 = tpu.memref_slice %arg4[%add3A_138, %dma_wait3A_139, %dma_wait3A_143] : memref<16384x50x128xf32, #tpu.memory_space<hbm>> -> memref<128x1x128xf32, #tpu.memory_space<hbm>>
    %dma_wait3A_145 = tpu.memref_squeeze %dma_wait3A_144 : memref<128x1x128xf32, #tpu.memory_space<hbm>> -> memref<128x128xf32, #tpu.memory_space<hbm>>
    tpu.wait_dma2 semaphore(%arg14 : memref<!tpu.dma_semaphore, #tpu.memory_space<semaphore_mem>>) src(%arg8 : memref<128x128xf32, #tpu.memory_space<vmem>>) dst(%dma_wait3A_145 : memref<128x128xf32, #tpu.memory_space<hbm>>)
    return
  }
}

module attributes {stable_mosaic.version = 14 : i64} {
  func.func @body(%arg0: i32, %arg1: memref<64x16384xf32, #tpu.memory_space<vmem>>, %arg2: memref<16384x128xf32, #tpu.memory_space<vmem>>) attributes {dimension_semantics = [#tpu.dimension_semantics<arbitrary>], iteration_bounds = array<i64: 62>, scalar_prefetch = 0 : i64, scratch_operands = 0 : i64, tpu.core_type = #tpu.core_type<tc>, window_params = [{transform_indices = @transform_0, window_bounds = array<i64: 64, 16384>}, {transform_indices = @transform_1, window_bounds = array<i64: 16384, 128>}]} {
    %iota3A = tpu.iota {dimensions = array<i32: 0>} : vector<64x128xi32>
    %iota3A_0 = tpu.iota {dimensions = array<i32: 1>} : vector<64x128xi32>
    %eq3A = arith.cmpi eq, %iota3A, %iota3A_0 : vector<64x128xi32>
    %jit3A = arith.constant 8.000000e+00 : f32
    %jit3A_1 = arith.constant 0.000000e+00 : f32
    %broadcast_in_dim3A = vector.broadcast %jit3A : f32 to vector<64x128xf32>
    %broadcast_in_dim3A_2 = vector.broadcast %jit3A_1 : f32 to vector<64x128xf32>
    %select_n3A = arith.select %eq3A, %broadcast_in_dim3A, %broadcast_in_dim3A_2 : vector<64x128xi1>, vector<64x128xf32>
    %convert_element_type3A = arith.truncf %select_n3A : vector<64x128xf32> to vector<64x128xbf16>
    %get3A = arith.constant 0 : index
    %get3A_3 = arith.constant 0 : index
    %get3A_4 = vector.load %arg1[%get3A, %get3A_3] : memref<64x16384xf32, #tpu.memory_space<vmem>>, vector<64x16384xf32>
    %convert_element_type3A_5 = arith.truncf %get3A_4 : vector<64x16384xf32> to vector<64x16384xbf16>
    %convert_element_type3A_6 = arith.extf %convert_element_type3A_5 : vector<64x16384xbf16> to vector<64x16384xf32>
    %sub3A = arith.subf %get3A_4, %convert_element_type3A_6 : vector<64x16384xf32>
    %convert_element_type3A_7 = arith.truncf %sub3A : vector<64x16384xf32> to vector<64x16384xbf16>
    %convert_element_type3A_8 = arith.extf %convert_element_type3A_7 : vector<64x16384xbf16> to vector<64x16384xf32>
    %sub3A_9 = arith.subf %sub3A, %convert_element_type3A_8 : vector<64x16384xf32>
    %convert_element_type3A_10 = arith.truncf %sub3A_9 : vector<64x16384xf32> to vector<64x16384xbf16>
    %dot_general3A = arith.constant dense<0.000000e+00> : vector<16384x128xf32>
    %dot_general3A_11 = tpu.matmul %convert_element_type3A_5, %convert_element_type3A, %dot_general3A {dimension_numbers = #tpu.dot_dimension_numbers<[0], [0], [1], [1], [0, 1, 1, 1], [], []>, transpose_lhs_hint = false} : vector<64x16384xbf16>, vector<64x128xbf16>, vector<16384x128xf32> -> vector<16384x128xf32>
    %dot_general3A_12 = arith.constant dense<0.000000e+00> : vector<16384x128xf32>
    %dot_general3A_13 = tpu.matmul %convert_element_type3A_7, %convert_element_type3A, %dot_general3A_12 {dimension_numbers = #tpu.dot_dimension_numbers<[0], [0], [1], [1], [0, 1, 1, 1], [], []>, transpose_lhs_hint = false} : vector<64x16384xbf16>, vector<64x128xbf16>, vector<16384x128xf32> -> vector<16384x128xf32>
    %add3A = arith.addf %dot_general3A_11, %dot_general3A_13 : vector<16384x128xf32>
    %dot_general3A_14 = arith.constant dense<0.000000e+00> : vector<16384x128xf32>
    %dot_general3A_15 = tpu.matmul %convert_element_type3A_10, %convert_element_type3A, %dot_general3A_14 {dimension_numbers = #tpu.dot_dimension_numbers<[0], [0], [1], [1], [0, 1, 1, 1], [], []>, transpose_lhs_hint = false} : vector<64x16384xbf16>, vector<64x128xbf16>, vector<16384x128xf32> -> vector<16384x128xf32>
    %add3A_16 = arith.addf %add3A, %dot_general3A_15 : vector<16384x128xf32>
    %swap3A = arith.constant 0 : index
    %swap3A_17 = arith.constant 0 : index
    %swap3A_18 = vector.load %arg2[%swap3A, %swap3A_17] : memref<16384x128xf32, #tpu.memory_space<vmem>>, vector<16384x128xf32>
    tpu.vector_store %arg2[%swap3A, %swap3A_17], %add3A_16 {strides = array<i32>} : memref<16384x128xf32, #tpu.memory_space<vmem>>, vector<16384x128xf32>,
    return
  }
  func.func @transform_0(%arg0: i32) -> (i32, i32) {
    %c0_i32 = arith.constant 0 : i32
    %c0_i32_0 = arith.constant 0 : i32
    return %c0_i32, %arg0 : i32, i32
  }
  func.func @transform_1(%arg0: i32) -> (i32, i32) {
    %c0_i32 = arith.constant 0 : i32
    %c0_i32_0 = arith.constant 0 : i32
    return %arg0, %c0_i32 : i32, i32
  }
}

</mosaic_0001>

<sc_bundles>
// kernel: kernel.4.cloned.1.call-start
scs
__scs_entry_jumppad:
0x0: {  	(pc) =	sbr.rel $0x88, $3  }
0x1: {  	(tag) =	ssettag $0x0;
	lr =	simm.s32 $0x1  }
0x2: {  	[smem:$0x3F9F] =	sst lr;
	_ =	strace $0xD0000000  }
0x3: {  	_ = 	snop  }
0x4: {  	_ = 	snop  }
0x5: {  	_ = 	snop  }
0x6: {  	_ = 	snop  }
0x7: {  	_ = 	snop  }
__scs_overlays_trampoline_lowered:
0x8: {  	[smem:$0x3FAE] =	sst s0  }
0x9: {  	[smem:$0x3FAF] =	sst s1  }
0xa: {  	[smem:$0x3FB0] =	sst s2  }
0xb: {  	[smem:$0x3FB1] =	sst s3  }
0xc: {  	[smem:$0x3FB2] =	sst s4  }
0xd: {  	[smem:$0x3FB3] =	sst s5  }
0xe: {  	[smem:$0x3FB4] =	sst s6  }
0xf: {  	[smem:$0x3FB5] =	sst s7  }
0x10: {  	[smem:$0x3FB6] =	sst s8  }
0x11: {  	[smem:$0x3FB7] =	sst s9;
	s0 =	simm.s32 @!p0 $0x0  }
0x12: {  	s1 =	sld [smem:$0x3F9D];
	s0 =	simm.s32 @p0 $0x1  }
0x13: {  	[smem:$0x3FB8] =	sst s0;
	s0 =	simm.s32 @!p1 $0x0  }
0x14: {  	s2 =	sld [smem:$0x3F9C];
	s0 =	simm.s32 @p1 $0x1  }
0x15: {  	[smem:$0x3FB9] =	sst s0;
	s0 =	simm.s32 @!p2 $0x0  }
0x16: {  	s3 =	sld [smem:$0x3FDB];
	s0 =	simm.s32 @p2 $0x1  }
0x17: {  	s4 =	simm.s32 $0x1BF5;
	[smem:$0x3FBB] =	sst s0  }
0x18: {  	s0 =	sld [smem:$0x3F9E];
	_ =	swait.ge [sflag:s4], $0x0  }
0x19: {  	s7 =	sld [smem:$0x3F9F]  }
0x1a: {  	s8 =	sadd.s32 $0xFFFFE003, lr  }
0x1b: {  	s9 =	sadd.s32 $0xFFFFFEF7, lr;
	s5 =	simm.s32 $0xFFFFFFFF;
	p2 =	slt.u32 s8, $0xFFFFF086  }
0x1c: {  	p1 =	slt.u32 s9, $0xF7A;
	s5 =	simm.s32 @!p2 $0x0  }
0x1d: {  	s5 =	simm.s32 @p1 $0x1;
	p0 =	seq.s32 s7, s2  }
0x1e: {  	s7 =	smul.u32 @!p0 $0xF7A, s2;
	p2 =	seq.s32 @!p0 s5, $0x0  }
0x1f: {  	s9 =	smul.u32 $0xF7A, s1;
	s8 =	simm.s32 @!p0 $0x1BF5;
	p2 =	por !p2, p0  }
0x20: {  	[sflag:s8] =	ssyncset.s32 @!p0 $0xFFFFF086;
	s6 =	sadd.s32 @!p0 s3, s7;
	s7 =	simm.s32 @!p0 $0x108  }
0x21: {  	s3 =	sadd.s32 s3, s9;
	s6 =	sadd.s32 @!p0 $0x88, s6;
	s7 =	simm.s32 @p2 $0x1082  }
0x22: {  	[simem:s7], [sflag:s8] =	dma.local @!p0 [hbm:s6], $0xF7A  }
0x23: {  	s9 =	sor.u32 $0xD0000000, s2;
	s6 =	simm.s32 $0x108;
	_ =	swait.ge @!p0 [sflag:s8], $0x0  }
0x24: {  	s3 =	sadd.s32 $0x88, s3;
	s6 =	simm.s32 @!p1 $0x1082;
	[sflag:s4] =	ssyncset.s32 $0xFFFFF086  }
0x25: {  	[simem:s6], [sflag:s4] =	dma.local [hbm:s3], $0xF7A  }
0x26: {  	[smem:$0x3F9F] =	sst s1;
	(tag) =	ssettag s2;
	_ =	strace s9  }
0x27: {  	s1 =	sld [smem:$0x3FAF]  }
0x28: {  	s2 =	sld [smem:$0x3FB0]  }
0x29: {  	s4 =	sld [smem:$0x3FB2]  }
0x2a: {  	p0 =	seq.s32 s5, $0x0;
	s5 =	sld [smem:$0x3FB3]  }
0x2b: {  	s6 =	sld [smem:$0x3FB4]  }
0x2c: {  	s7 =	sld [smem:$0x3FB5]  }
0x2d: {  	s3 =	simm.s32 $0x108;
	s8 =	sld [smem:$0x3FB6]  }
0x2e: {  	s3 =	simm.s32 @!p0 $0x1082;
	s9 =	sld [smem:$0x3FB7]  }
0x2f: {  	lr =	sadd.s32 s0, s3;
	s0 =	sld [smem:$0x3FAE]  }
0x30: {  	s3 =	sld [smem:$0x3FB1]  }
0x31: {  	[smem:$0x3FBA] =	sst s10  }
0x32: {  	s10 =	sld [smem:$0x3FB8];
	_ =	sdelay $0x3  }
0x33: {  	p0 =	seq.s32 s10, $0x1;
	s10 =	sld [smem:$0x3FBA];
	_ =	sdelay $0x3  }
0x34: {  	[smem:$0x3FBA] =	sst s10  }
0x35: {  	s10 =	sld [smem:$0x3FB9];
	_ =	sdelay $0x3  }
0x36: {  	p1 =	seq.s32 s10, $0x1;
	s10 =	sld [smem:$0x3FBA];
	_ =	sdelay $0x3  }
0x37: {  	[smem:$0x3FBA] =	sst s10  }
0x38: {  	s10 =	sld [smem:$0x3FBB]  }
0x39: {  	_ = 	snop;
	(pc) =	sbr.ind lr, $3  }
0x3a: {  	_ = 	snop  }
0x3b: {  	_ = 	snop  }
0x3c: {  	p2 =	seq.s32 s10, $0x1;
	s10 =	sld [smem:$0x3FBA]  }
0x3d: {  	_ =	shalt  }
0x3e: {  	_ =	shalt  }
0x3f: {  	_ =	shalt  }
0x40: {  	_ =	shalt  }
0x41: {  	_ =	shalt  }
0x42: {  	_ =	shalt  }
0x43: {  	_ =	shalt  }
0x44: {  	_ =	shalt  }
0x45: {  	_ =	shalt  }
0x46: {  	_ =	shalt  }
0x47: {  	_ =	shalt  }
0x48: {  	_ =	shalt  }
0x49: {  	_ =	shalt  }
0x4a: {  	_ =	shalt  }
0x4b: {  	_ =	shalt  }
0x4c: {  	_ =	shalt  }
0x4d: {  	_ =	shalt  }
0x4e: {  	_ =	shalt  }
0x4f: {  	_ =	shalt  }
0x50: {  	_ =	shalt  }
0x51: {  	_ =	shalt  }
0x52: {  	_ =	shalt  }
0x53: {  	_ =	shalt  }
0x54: {  	_ =	shalt  }
0x55: {  	_ =	shalt  }
0x56: {  	_ =	shalt  }
0x57: {  	_ =	shalt  }
0x58: {  	_ =	shalt  }
0x59: {  	_ =	shalt  }
0x5a: {  	_ =	shalt  }
0x5b: {  	_ =	shalt  }
0x5c: {  	_ =	shalt  }
0x5d: {  	_ =	shalt  }
0x5e: {  	_ =	shalt  }
0x5f: {  	_ =	shalt  }
0x60: {  	_ =	shalt  }
0x61: {  	_ =	shalt  }
0x62: {  	_ =	shalt  }
0x63: {  	_ =	shalt  }
0x64: {  	_ =	shalt  }
0x65: {  	_ =	shalt  }
0x66: {  	_ =	shalt  }
0x67: {  	_ =	shalt  }
0x68: {  	_ =	shalt  }
0x69: {  	_ =	shalt  }
0x6a: {  	_ =	shalt  }
0x6b: {  	_ =	shalt  }
0x6c: {  	_ =	shalt  }
0x6d: {  	_ =	shalt  }
0x6e: {  	_ =	shalt  }
0x6f: {  	_ =	shalt  }
0x70: {  	_ =	shalt  }
0x71: {  	_ =	shalt  }
0x72: {  	_ =	shalt  }
0x73: {  	_ =	shalt  }
0x74: {  	_ =	shalt  }
0x75: {  	_ =	shalt  }
0x76: {  	_ =	shalt  }
0x77: {  	_ =	shalt  }
0x78: {  	_ =	shalt  }
0x79: {  	_ =	shalt  }
0x7a: {  	_ =	shalt  }
0x7b: {  	_ =	shalt  }
0x7c: {  	_ =	shalt  }
0x7d: {  	_ =	shalt  }
0x7e: {  	_ =	shalt  }
0x7f: {  	_ =	shalt  }
0x80: {  	_ =	shalt  }
0x81: {  	_ =	shalt  }
0x82: {  	_ =	shalt  }
0x83: {  	_ =	shalt  }
0x84: {  	_ =	shalt  }
0x85: {  	_ =	shalt  }
0x86: {  	_ =	shalt  }
0x87: {  	_ =	shalt  }
.Lfunc_end0:
.L_simem_size_0:
called_computation.1_lowered:
.L_overlay_start_0:
0x88: {  	s2 =	sld [smem:$0x3FD9]  }
0x89: {  	s3 =	sld [smem:$0x3FFE];
	_ =	sdelay $0x1  }
0x8a: {  	s1 =	srdreg.scid  }
0x8b: {  	s0 =	sand.u32 $0x1, s1  }
0x8c: {  	s17 =	sshll.u32 s0, $0xA;
	s2 =	sadd.s32 s3, s2  }
0x8d: {  	s2 =	sadd.s32 s2, s17  }
0x8e: {  	[smem:$0x3FC6] =	sst s2  }
0x8f: {  	_ = 	snop  }
0x90: {  	s2 =	sld [smem:$0x3FC9];
	(tm) =	ssettm $0x1  }
0x91: {  	s18 =	sld [smem:$0x3FFB];
	_ =	sdelay $0x3  }
0x92: {  	_ =	strace s18  }
0x93: {  	s3 =	sld [smem:$0x3FFC];
	_ =	sdelay $0x3  }
0x94: {  	_ =	strace s3  }
0x95: {  	s3 =	sld [smem:$0x3FFD];
	_ =	sdelay $0x3  }
0x96: {  	_ =	strace s3  }
0x97: {  	_ =	strace $0x8FFFFFFF  }
0x98: {  	s19 =	sld [smem:$0x3FDB];
	_ =	sdelay $0x1  }
0x99: {  	s4 =	simm.s32 $_scs_section_size  }
0x9a: {  	s5 =	simm.s32 $_size__tile_overlayer_lowered;
	s6 =	simm.s32 $_tile_overlayer_lowered  }
0x9b: {  	s22 =	simm.s32 $0x1BFF;
	s21 =	sshll.u32 s6, $0x1;
	s3 =	sadd.s32 s4, s19  }
0x9c: {  	s7 =	simm.s32 $0x0;
	s20 =	sshll.u32 s5, $0x1;
	s5 =	sadd.s32 s21, s3  }
0x9d: {  	[timem:s7], [sflag:s22] =	dma.local [hbm:s5], s20  }
0x9e: {  	_ =	swait.ge [sflag:s22], s20  }
0x9f: {  	s4 =	ssub.s32 $0x0, s20;
	[sflag:s22] =	ssyncset.done $0x0  }
0xa0: {  	[sflag:s22] =	ssyncadd.s32 s4;
	_ =	sdelay $0x1  }
0xa1: {  	s23 =	simm.s32 $0x1B8B  }
0xa2: {  	_ =	swait.ge [sflag:s23], $0x1  }
0xa3: {  	[sflag:s23] =	ssyncset.done $0x0  }
0xa4: {  	s25 =	simm.s32 $0x1B8E;
	s24 =	sld [smem:$0x3FFE];
	[sflag:s23] =	ssyncadd.s32 $0xFFFFFFFF  }
0xa5: {  	s26 =	simm.s32 $execute0_lowered;
	[smem:$0x3FD2] =	sst s25  }
0xa6: {  	s5 =	sshll.u32 s26, $0x1;
	_ =	strace $0x80000046;
	[dreg:$0x1] =	wrdreg $0xFFFFFFFF  }
0xa7: {  	s28 =	simm.s32 $_size_execute0_lowered;
	s3 =	sadd.s32 s3, s5;
	[dreg:$0x0] =	wrdreg $0x0  }
0xa8: {  	s5 =	sshll.u32 s28, $0x1;
	[dreg:$0x2] =	wrdreg s3  }
0xa9: {  	[dreg:$0x3] =	wrdreg s5  }
0xaa: {  	[dreg:$0x4] =	wrdreg $0xC0  }
0xab: {  	_ =	task [dreg:s7], $0x5FFFF  }
0xac: {  	[dreg:$0x1] =	wrdreg $0xFFFFFFFF  }
0xad: {  	[dreg:$0x0] =	wrdreg $0x60  }
0xae: {  	[dreg:$0x2] =	wrdreg s2  }
0xaf: {  	[dreg:$0x3] =	wrdreg s24  }
0xb0: {  	[dreg:$0x4] =	wrdreg $0x9  }
0xb1: {  	_ =	task.clear_ibuf [dreg:s7], $0x5FFFF;
	_ =	strace $0x90000046  }
0xb2: {  	s29 =	simm.s32 $0x9;
	_ =	strace $0x80000048  }
0xb3: {  	_ =	swait.ge [sflag:s29], $0x1  }
0xb4: {  	[sflag:s29] =	ssyncadd.s32 $0xFFFFFFFF  }
0xb5: {  	_ =	strace $0x90000048  }
0xb6: {  	_ =	sfence  }
0xb7: {  	s30 =	sld [smem:$0x0];
	_ =	sdelay $0x2  }
0xb8: {  	s31 =	sshll.u32 s1, $0xD;
	s1 =	sshrl.u32 s1, $0x2  }
0xb9: {  	s3 =	sand.u32 $0x4000, s31;
	s1 =	sadd.s32 s1, s30  }
0xba: {  	s0 =	sor.u32 s3, s0;
	s1 =	sshll.u32 s1, $0x11  }
0xbb: {  	s0 =	sor.u32 s1, s0  }
0xbc: {  	s0 =	sadd.s32 $0x8F2B, s0  }
0xbd: {  	[sflag:s0] =	ssyncadd.remote.s32 $0x1  }
0xbe: {  	_ =	sfence.sel $0xFFFF  }
0xbf: {  	[dreg:$0x0] =	wrdreg $0xFFFFFFFF;
	(pc) =	sbr.abs _section_cstart, $3  }
0xc0: {  	[dreg:$0x1] =	wrdreg $0xFFFFFFFF  }
0xc1: {  	_ =	task.clear_ibuf [dreg:s7], $0x2FFFF;
	_ =	strace $0x9FFFFFFF  }
0xc2: {  	(tm) =	ssettm $0x7FFFFFFF  }
0xc3: {  	_ =	shalt  }
tec
execute0_lowered:
.L_overlay_start_1:
0x0: {  	(tag) =	ssettag $0x1  }
0x1: {  	s1 =	rddreg [dreg:$0x0]  }
0x2: {  	s0 =	rddreg [dreg:$0x1]  }
0x3: {  	s3 =	simm.s32 $0x0;
	s2 =	srdreg.scid;
	s4 =	stileid.u32  }
0x4: {  	s17 =	simm.s32 $0x80;
	s18 =	simm.s32 $0x100;
	s19 =	simm.s32 $0x2  }
0x5: {  	s20 =	simm.s32 $0x3;
	s21 =	simm.s32 $0x4100;
	s22 =	simm.s32 $0x1C00  }
0x6: {  	s23 =	simm.s32 $0x5;
	[smem:$0x7FF] =	sst s3;
	s2 =	sand.u32 $0x1, s2  }
0x7: {  	s4 =	sshll.u32 s4, $0x1;
	s6 =	sadd.s32 $0xF42C00, s0;
	_ =	strace $0x80000047  }
0x8: {  	s8 =	sor.u32 s2, s4;
	s4 =	sadd.s32 $0x800, s0;
	s2 =	ssub.s32 $0x2, s2  }
0x9: {  	s5 =	sshll.u32 s8, $0x9;
	s7 =	sshrl.u32 s2, $0x1;
	s10 =	smul.u32 $0x70000, s8  }
0xa: {  	s8 =	smul.u32 $0x380000, s8;
	s9 =	sor.u32 $0x80, s5;
	s24 =	ssub.s32 s2, s7  }
0xb: {  	s11 =	sor.u32 $0x100, s5;
	s25 =	smul.u32 $0x380, s9;
	s9 =	sadd.s32 s1, s9  }
0xc: {  	s7 =	sadd.s32 s1, s5;
	s26 =	sadd.s32 s1, s11;
	[dreg:$0x3] =	wrdreg s9  }
0xd: {  	s28 =	smul.u32 $0x380, s11;
	s10 =	sadd.s32 s6, s10;
	[dreg:$0x4] =	wrdreg s26  }
0xe: {  	s29 =	sshrl.u32 s8, $0x3;
	s30 =	sadd.s32 $0x18190, s7;
	[dreg:$0x5] =	wrdreg s10  }
0xf: {  	s0 =	smax.u32 s24, $0x1;
	s24 =	simm.s32 $0x6;
	[dreg:$0x7] =	wrdreg s30  }
0x10: {  	[dreg:$0xa] =	wrdreg s0;
	s2 =	sadd.s32 s6, s25;
	s31 =	sadd.s32 s28, s6  }
0x11: {  	[dreg:$0x6] =	wrdreg s2;
	s2 =	sadd.s32 s6, s29;
	s8 =	sadd.s32 $0x310, s31  }
0x12: {  	s26 =	simm.s32 $0x4;
	[dreg:$0x8] =	wrdreg s8;
	s2 =	sadd.s32 $0x54310, s2  }
0x13: {  	s25 =	simm.s32 $0x1;
	[dreg:$0x9] =	wrdreg s2;
	s2 =	simm.s32 $0x0  }
.LBB2_1:
0x14: {  	[tilespmem:s3], [sflag:$0x7] =	stream.linear.gather [hbm4b:s7+s3], $0x80, $0x38;
	[tilespmem:$0x8100] =	vst v63  }
0x15: {  	[dreg:$0xb] =	wrdreg s2;
	s0 =	simm.s32 $0x7  }
0x16: {  	_ =	swait.ge [sflag:s0], $0x80  }
0x17: {  	[sflag:s0] =	ssyncset.done $0x0  }
0x18: {  	[sflag:s0] =	ssyncadd.s32 $0xFFFFFF80  }
0x19: {  	[tilespmem:s18], [sflag:$0x3] =	stream.indirect.gather [hbm4b:s4+s17], $0x80, s3, s17, $0xb8;
	[tilespmem:$0x8100] =	vst v63  }
0x1a: {  	s10 =	rddreg [dreg:$0x3]  }
0x1b: {  	[tilespmem:s17], [sflag:$0x2] =	stream.linear.gather [hbm4b:s10+s3], $0x80, $0x38;
	[tilespmem:$0x8100] =	vst v63  }
0x1c: {  	_ =	swait.ge [sflag:s19], $0x80  }
0x1d: {  	[sflag:s19] =	ssyncset.done $0x0  }
0x1e: {  	[sflag:s19] =	ssyncadd.s32 $0xFFFFFF80  }
0x1f: {  	_ =	swait.ge [sflag:s20], $0x4000  }
0x20: {  	[sflag:s20] =	ssyncset.done $0x0  }
0x21: {  	[sflag:s20] =	ssyncadd.s32 $0xFFFFC000  }
0x22: {  	[tilespmem:s21], [sflag:$0x4] =	stream.indirect.gather [hbm4b:s4+s17], $0x80, s17, s17, $0xb8;
	[tilespmem:$0x8100] =	vst v63  }
0x23: {  	s11 =	rddreg [dreg:$0x4]  }
0x24: {  	[tilespmem:s3], [sflag:$0x1] =	stream.linear.gather [hbm4b:s11+s3], $0x80, $0x38;
	[tilespmem:$0x8100] =	vst v63  }
0x25: {  	s12 =	rddreg [dreg:$0x5]  }
0x26: {  	[hbm4b:s12+s17] =	stream.strided.scatter [tilespmem:s18], [sflag:$0x5], $0x4000, s22, s17, $0x38;
	[tilespmem:$0x8100] =	vst v63  }
0x27: {  	s14 =	simm.s32 $0x40;
	s15 =	simm.s32 $0x100;
	_ =	swait.ge [sflag:s25], $0x80  }
0x28: {  	s8 =	simm.s32 $0x200;
	s29 =	simm.s32 $0x80;
	[sflag:s25] =	ssyncset.done $0x0  }
0x29: {  	s9 =	simm.s32 $0x800;
	s30 =	simm.s32 $0x6;
	[sflag:s25] =	ssyncadd.s32 $0xFFFFFF80  }
0x2a: {  	s2 =	sand.u32 $0x100, s15;
	s8 =	sand.u32 $0x100, s8;
	_ =	swait.ge [sflag:s26], $0x4000  }
0x2b: {  	s9 =	sand.u32 $0x3C000, s9;
	s2 =	sor.u32 s2, s5;
	[sflag:s26] =	ssyncset.done $0x0  }
0x2c: {  	s16 =	sor.u32 $0x80, s2;
	s13 =	rddreg [dreg:$0x6];
	[sflag:s26] =	ssyncadd.s32 $0xFFFFC000  }
0x2d: {  	[hbm4b:s13+s17] =	stream.strided.scatter [tilespmem:s21], [sflag:$0x6], $0x4000, s22, s17, $0x38;
	[tilespmem:$0x8100] =	vst v63  }
0x2e: {  	s15 =	simm.s32 $0xC00;
	s12 =	sshll.u32 s16, $0x3;
	s13 =	simm.s32 $0x0  }
0x2f: {  	s11 =	sand.u32 $0x380, s14;
	s12 =	sor.u32 s13, s12;
	_ =	swait.ge [sflag:s23], $0x4000  }
0x30: {  	s2 =	smul.u32 $0x1C00, s2;
	s12 =	sor.u32 s11, s12;
	[sflag:s23] =	ssyncset.done $0x0  }
0x31: {  	s0 =	sand.u32 $0x1F80, s14;
	s12 =	sshrl.u32 s12, $0x3;
	[sflag:s23] =	ssyncadd.s32 $0xFFFFC000  }
0x32: {  	[tilespmem:s18], [sflag:$0x3] =	stream.indirect.gather [hbm4b:s4+s17], $0x80, s3, s17, $0xb8;
	[tilespmem:$0x8100] =	vst v63  }
0x33: {  	s0 =	sor.u32 s0, s2;
	s10 =	sadd.s32 s8, s7;
	s12 =	sadd.s32 s1, s12  }
0x34: {  	[tilespmem:s17], [sflag:$0x2] =	stream.linear.gather [hbm4b:s12+s3], $0x80, $0x38;
	[tilespmem:$0x8100] =	vst v63  }
0x35: {  	s8 =	smul.u32 $0x1C00, s16;
	s0 =	sshrl.u32 s0, $0x3;
	_ =	swait.ge [sflag:s19], $0x80  }
0x36: {  	s9 =	sadd.s32 s9, s10;
	s10 =	simm.s32 $0x300;
	[sflag:s19] =	ssyncset.done $0x0  }
0x37: {  	s28 =	sadd.s32 $0x0, s8;
	s8 =	simm.s32 $0xC0;
	[sflag:s19] =	ssyncadd.s32 $0xFFFFFF80  }
0x38: {  	s2 =	sor.u32 s11, s28;
	s28 =	simm.s32 $0x200;
	_ =	swait.ge [sflag:s24], $0x4000  }
0x39: {  	s31 =	sshrl.u32 s2, $0x3;
	s16 =	sand.u32 $0x100, s10;
	[sflag:s24] =	ssyncset.done $0x0  }
0x3a: {  	s2 =	sadd.s32 s16, s7;
	s13 =	simm.s32 $0x10;
	[sflag:s24] =	ssyncadd.s32 $0xFFFFC000  }
0x3b: {  	s14 =	sand.u32 $0x70, s13;
	s11 =	sadd.s32 s6, s0;
	_ =	swait.ge [sflag:s20], $0x4000  }
0x3c: {  	s0 =	simm.s32 $0x2;
	s13 =	sand.u32 $0x100, s28;
	[sflag:s20] =	ssyncset.done $0x0  }
0x3d: {  	s12 =	sadd.s32 s14, s9;
	s9 =	sand.u32 $0x3C000, s15;
	[sflag:s20] =	ssyncadd.s32 $0xFFFFC000  }
.LBB2_2:
0x3e: {  	s13 =	sor.u32 s13, s5  }
0x3f: {  	s14 =	sshrl.u32 s0, $0x4;
	s15 =	sand.u32 $0x380, s29;
	s16 =	smov.u32 s8  }
0x40: {  	[tilespmem:s21], [sflag:$0x4] =	stream.indirect.gather [hbm4b:s4+s17], $0x80, s17, s17, $0xb8;
	[tilespmem:$0x8100] =	vst v63  }
0x41: {  	s29 =	sand.u32 $0x1F80, s29;
	s28 =	sor.u32 $0x80, s13;
	s13 =	smul.u32 $0x1C00, s13  }
0x42: {  	[tilespmem:s3], [sflag:$0x1] =	stream.linear.gather [hbm4b:s12+s3], $0x80, $0x38;
	[tilespmem:$0x8100] =	vst v63  }
0x43: {  	s12 =	sshll.u32 s28, $0x3;
	s13 =	sor.u32 s29, s13;
	s28 =	smul.u32 $0x1C00, s28  }
0x44: {  	[hbm4b:s11+s17] =	stream.strided.scatter [tilespmem:s18], [sflag:$0x5], $0x4000, s22, s17, $0x38;
	[tilespmem:$0x8100] =	vst v63  }
0x45: {  	s13 =	sshrl.u32 s13, $0x3;
	s11 =	sshll.u32 s14, $0x11;
	_ =	swait.ge [sflag:s25], $0x80  }
0x46: {  	s11 =	sor.u32 s11, s12;
	s12 =	sshll.u32 s14, $0xA;
	[sflag:s25] =	ssyncset.done $0x0  }
0x47: {  	s11 =	sor.u32 s15, s11;
	s12 =	sadd.s32 s12, s28;
	[sflag:s25] =	ssyncadd.s32 $0xFFFFFF80  }
0x48: {  	s11 =	sshrl.u32 s11, $0x3;
	s12 =	sor.u32 s15, s12;
	_ =	swait.ge [sflag:s26], $0x4000  }
0x49: {  	s14 =	sshll.u32 s30, $0x2;
	s12 =	sshrl.u32 s12, $0x3;
	[sflag:s26] =	ssyncset.done $0x0  }
0x4a: {  	s14 =	sand.u32 $0x70, s14;
	s15 =	sadd.s32 s6, s31;
	[sflag:s26] =	ssyncadd.s32 $0xFFFFC000  }
0x4b: {  	[hbm4b:s15+s17] =	stream.strided.scatter [tilespmem:s21], [sflag:$0x6], $0x4000, s22, s17, $0x38;
	[tilespmem:$0x8100] =	vst v63  }
0x4c: {  	p0 =	sne.s32 s8, $0x1880;
	s8 =	sadd.s32 $0x40, s8;
	_ =	swait.ge [sflag:s23], $0x4000  }
0x4d: {  	s29 =	smov.u32 s16;
	s31 =	smov.u32 s12;
	[sflag:s23] =	ssyncset.done $0x0  }
0x4e: {  	[sflag:s23] =	ssyncadd.s32 $0xFFFFC000  }
0x4f: {  	[tilespmem:s18], [sflag:$0x3] =	stream.indirect.gather [hbm4b:s4+s17], $0x80, s3, s17, $0xb8;
	[tilespmem:$0x8100] =	vst v63  }
0x50: {  	s11 =	sadd.s32 s1, s11  }
0x51: {  	[tilespmem:s17], [sflag:$0x2] =	stream.linear.gather [hbm4b:s11+s3], $0x80, $0x38;
	[tilespmem:$0x8100] =	vst v63  }
0x52: {  	_ =	swait.ge [sflag:s19], $0x80  }
0x53: {  	[sflag:s19] =	ssyncset.done $0x0  }
0x54: {  	s2 =	sadd.s32 s9, s2;
	[sflag:s19] =	ssyncadd.s32 $0xFFFFFF80  }
0x55: {  	s0 =	sadd.s32 $0x1, s0;
	s11 =	sadd.s32 s6, s13;
	_ =	swait.ge [sflag:s24], $0x4000  }
.Ltmp0:
0x56: {  	s12 =	sadd.s32 s14, s2;
	[sflag:s24] =	ssyncset.done $0x0;
	(pc) =	sbr.rel @p0 .LBB2_2-.Ltmp0, $4  }
0x57: {  	s10 =	sadd.s32 $0x100, s10;
	s30 =	sadd.s32 $0x2, s30;
	[sflag:s24] =	ssyncadd.s32 $0xFFFFC000  }
0x58: {  	s9 =	sshll.u32 s30, $0x9;
	s2 =	sand.u32 $0x100, s10;
	_ =	swait.ge [sflag:s20], $0x4000  }
0x59: {  	s2 =	sadd.s32 s2, s7;
	s13 =	sadd.s32 $0xFFFFFF00, s10;
	[sflag:s20] =	ssyncset.done $0x0  }
0x5a: {  	s9 =	sand.u32 $0x3C000, s9;
	s13 =	sand.u32 $0x100, s13;
	[sflag:s20] =	ssyncadd.s32 $0xFFFFC000  }
0x5b: {  	[tilespmem:s21], [sflag:$0x4] =	stream.indirect.gather [hbm4b:s4+s17], $0x80, s17, s17, $0xb8;
	[tilespmem:$0x8100] =	vst v63  }
0x5c: {  	_ = 	snop  }
0x5d: {  	[tilespmem:s3], [sflag:$0x1] =	stream.linear.gather [hbm4b:s12+s3], $0x80, $0x38;
	[tilespmem:$0x8100] =	vst v63  }
0x5e: {  	_ = 	snop  }
0x5f: {  	[hbm4b:s11+s17] =	stream.strided.scatter [tilespmem:s18], [sflag:$0x5], $0x4000, s22, s17, $0x38;
	[tilespmem:$0x8100] =	vst v63  }
0x60: {  	_ =	swait.ge [sflag:s25], $0x80  }
0x61: {  	[sflag:s25] =	ssyncset.done $0x0  }
0x62: {  	[sflag:s25] =	ssyncadd.s32 $0xFFFFFF80  }
0x63: {  	s8 =	sor.u32 s13, s5;
	s0 =	sshrl.u32 s0, $0x4;
	_ =	swait.ge [sflag:s26], $0x4000  }
0x64: {  	s15 =	sadd.s32 s6, s31;
	s10 =	sor.u32 $0x80, s8;
	[sflag:s26] =	ssyncset.done $0x0  }
0x65: {  	s28 =	sshll.u32 s0, $0x11;
	s16 =	sshll.u32 s10, $0x3;
	[sflag:s26] =	ssyncadd.s32 $0xFFFFC000  }
0x66: {  	[hbm4b:s15+s17] =	stream.strided.scatter [tilespmem:s21], [sflag:$0x6], $0x4000, s22, s17, $0x38;
	[tilespmem:$0x8100] =	vst v63  }
0x67: {  	s31 =	sand.u32 $0x380, s29;
	s11 =	sor.u32 s28, s16;
	_ =	swait.ge [sflag:s23], $0x4000  }
0x68: {  	s11 =	sor.u32 s31, s11;
	[sflag:s23] =	ssyncset.done $0x0  }
0x69: {  	s11 =	sshrl.u32 s11, $0x3;
	[sflag:s23] =	ssyncadd.s32 $0xFFFFC000  }
0x6a: {  	[tilespmem:s18], [sflag:$0x3] =	stream.indirect.gather [hbm4b:s4+s17], $0x80, s3, s17, $0xb8;
	[tilespmem:$0x8100] =	vst v63  }
0x6b: {  	s11 =	sadd.s32 s1, s11  }
0x6c: {  	[tilespmem:s17], [sflag:$0x2] =	stream.linear.gather [hbm4b:s11+s3], $0x80, $0x38;
	[tilespmem:$0x8100] =	vst v63  }
0x6d: {  	_ =	swait.ge [sflag:s19], $0x80  }
0x6e: {  	[sflag:s19] =	ssyncset.done $0x0  }
0x6f: {  	[sflag:s19] =	ssyncadd.s32 $0xFFFFFF80  }
0x70: {  	_ =	swait.ge [sflag:s24], $0x4000  }
0x71: {  	[sflag:s24] =	ssyncset.done $0x0  }
0x72: {  	[sflag:s24] =	ssyncadd.s32 $0xFFFFC000  }
0x73: {  	s2 =	sadd.s32 s9, s2;
	s8 =	smul.u32 $0x1C00, s8;
	_ =	swait.ge [sflag:s20], $0x4000  }
0x74: {  	s13 =	sand.u32 $0x1F80, s29;
	s11 =	sshll.u32 s30, $0x2;
	[sflag:s20] =	ssyncset.done $0x0  }
0x75: {  	s8 =	sor.u32 s13, s8;
	s9 =	sand.u32 $0x70, s11;
	[sflag:s20] =	ssyncadd.s32 $0xFFFFC000  }
0x76: {  	[tilespmem:s21], [sflag:$0x4] =	stream.indirect.gather [hbm4b:s4+s17], $0x80, s17, s17, $0xb8;
	[tilespmem:$0x8100] =	vst v63  }
0x77: {  	s14 =	sshrl.u32 s8, $0x3;
	s2 =	sadd.s32 s9, s2  }
0x78: {  	[tilespmem:s3], [sflag:$0x1] =	stream.linear.gather [hbm4b:s2+s3], $0x80, $0x38;
	[tilespmem:$0x8100] =	vst v63  }
0x79: {  	s2 =	sadd.s32 s6, s14  }
0x7a: {  	[hbm4b:s2+s17] =	stream.strided.scatter [tilespmem:s18], [sflag:$0x5], $0x4000, s22, s17, $0x38;
	[tilespmem:$0x8100] =	vst v63  }
0x7b: {  	s15 =	smul.u32 $0x1C00, s10;
	_ =	swait.ge [sflag:s25], $0x80  }
0x7c: {  	s0 =	sshll.u32 s0, $0xA;
	[sflag:s25] =	ssyncset.done $0x0  }
0x7d: {  	s0 =	sadd.s32 s0, s15;
	[sflag:s25] =	ssyncadd.s32 $0xFFFFFF80  }
0x7e: {  	s0 =	sor.u32 s31, s0;
	_ =	swait.ge [sflag:s26], $0x4000  }
0x7f: {  	s0 =	sshrl.u32 s0, $0x3;
	[sflag:s26] =	ssyncset.done $0x0  }
0x80: {  	s0 =	sadd.s32 s6, s0;
	[sflag:s26] =	ssyncadd.s32 $0xFFFFC000  }
0x81: {  	[hbm4b:s0+s17] =	stream.strided.scatter [tilespmem:s21], [sflag:$0x6], $0x4000, s22, s17, $0x38;
	[tilespmem:$0x8100] =	vst v63  }
0x82: {  	_ =	swait.ge [sflag:s23], $0x4000  }
0x83: {  	[sflag:s23] =	ssyncset.done $0x0  }
0x84: {  	[sflag:s23] =	ssyncadd.s32 $0xFFFFC000  }
0x85: {  	[tilespmem:s18], [sflag:$0x3] =	stream.indirect.gather [hbm4b:s4+s17], $0x80, s3, s17, $0xb8;
	[tilespmem:$0x8100] =	vst v63  }
0x86: {  	s16 =	rddreg [dreg:$0x7]  }
0x87: {  	[tilespmem:s17], [sflag:$0x2] =	stream.linear.gather [hbm4b:s16+s3], $0x80, $0x38;
	[tilespmem:$0x8100] =	vst v63  }
0x88: {  	_ =	swait.ge [sflag:s19], $0x80  }
0x89: {  	[sflag:s19] =	ssyncset.done $0x0  }
0x8a: {  	[sflag:s19] =	ssyncadd.s32 $0xFFFFFF80  }
0x8b: {  	_ =	swait.ge [sflag:s24], $0x4000  }
0x8c: {  	[sflag:s24] =	ssyncset.done $0x0  }
0x8d: {  	[sflag:s24] =	ssyncadd.s32 $0xFFFFC000  }
0x8e: {  	_ =	swait.ge [sflag:s20], $0x4000  }
0x8f: {  	[sflag:s20] =	ssyncset.done $0x0  }
0x90: {  	[sflag:s20] =	ssyncadd.s32 $0xFFFFC000  }
0x91: {  	[tilespmem:s21], [sflag:$0x4] =	stream.indirect.gather [hbm4b:s4+s17], $0x80, s17, s17, $0xb8;
	[tilespmem:$0x8100] =	vst v63  }
0x92: {  	s28 =	rddreg [dreg:$0x8]  }
0x93: {  	[hbm4b:s28+s17] =	stream.strided.scatter [tilespmem:s18], [sflag:$0x5], $0x4000, s22, s17, $0x38;
	[tilespmem:$0x8100] =	vst v63  }
0x94: {  	_ =	swait.ge [sflag:s26], $0x4000  }
0x95: {  	[sflag:s26] =	ssyncset.done $0x0  }
0x96: {  	s29 =	rddreg [dreg:$0x9];
	[sflag:s26] =	ssyncadd.s32 $0xFFFFC000  }
0x97: {  	[hbm4b:s29+s17] =	stream.strided.scatter [tilespmem:s21], [sflag:$0x6], $0x4000, s22, s17, $0x38;
	[tilespmem:$0x8100] =	vst v63  }
0x98: {  	_ =	swait.ge [sflag:s23], $0x4000  }
0x99: {  	[sflag:s23] =	ssyncset.done $0x0  }
0x9a: {  	[sflag:s23] =	ssyncadd.s32 $0xFFFFC000  }
0x9b: {  	_ =	swait.ge [sflag:s24], $0x4000  }
0x9c: {  	s30 =	rddreg [dreg:$0xb]  }
0x9d: {  	s31 =	rddreg [dreg:$0xa];
	s2 =	sadd.s32 $0x1, s30  }
0x9e: {  	p0 =	sne.s32 s2, s31  }
.Ltmp1:
0x9f: {  	_ = 	snop;
	(pc) =	sbr.rel @p0 .LBB2_1-.Ltmp1, $3  }
0xa0: {  	_ =	sdelay $0x1  }
0xa1: {  	[sflag:s24] =	ssyncset.done $0x0  }
0xa2: {  	[sflag:s24] =	ssyncadd.s32 $0xFFFFC000  }
0xa3: {  	_ =	sfence.sel $0x180000  }
0xa4: {  	[bflag:$0x0] =	sbarrier.arrive $0xFFFF  }
0xa5: {  	_ =	strace $0x90000047  }
0xa6: {  	s0 =	stileid.u32;
	[bflag:$0x2] =	sbarrier.arrive $0xFFFF  }
0xa7: {  	p0 =	sne.s32 s0, $0x0;
	s0 =	rddreg [dreg:$0x2]  }
0xa8: {  	s0 =	sadd.s32 @!p0 $0x100000, s0  }
0xa9: {  	[sflag:s0] =	ssyncadd.tile.s32 @!p0 $0x1;
	_ =	shalt  }
.Lfunc_end2:
_tile_overlayer_lowered:
.L_overlay_start_2:
0xaa: {  	(tag) =	ssettag $0x2  }
0xab: {  	s0 =	rddreg [dreg:$0x0];
	s2 =	stileid.u32  }
0xac: {  	s1 =	rddreg [dreg:$0x1];
	p0 =	sne.s32 s2, $0x0  }
0xad: {  	s3 =	rddreg [dreg:$0x2];
	[bflag:$0x3] =	sbarrier.arrive $0xFFFF;
	s2 =	simm.s32 @!p0 $0x1C07  }
0xae: {  	[timem:s3], [sflag:s2] =	dma.local @!p0 [hbm:s0], s1  }
0xaf: {  	s0 =	simm.s32 @!p0 $0x7  }
0xb0: {  	_ =	swait.ge @!p0 [sflag:s0], s1  }
0xb1: {  	s1 =	ssub.s32 @!p0 $0x0, s1;
	[sflag:s0] =	ssyncset.done @!p0 $0x0  }
0xb2: {  	[sflag:s0] =	ssyncadd.s32 @!p0 s1  }
0xb3: {  	[bflag:$0x3] =	sbarrier.arrive $0xFFFF  }
0xb4: {  	_ =	shalt  }

// kernel: sparse-core-data-format-call.cloned.1.call-start
scs
called_computation_lowered:
.L_overlay_start_0:
0x0: {  	s2 =	sld [smem:$0x3FD9]  }
0x1: {  	s3 =	sld [smem:$0x3FFE];
	_ =	sdelay $0x1  }
0x2: {  	s1 =	srdreg.scid  }
0x3: {  	s0 =	sand.u32 $0x1, s1  }
0x4: {  	s18 =	sshll.u32 s0, $0xA;
	s2 =	sadd.s32 s3, s2  }
0x5: {  	s2 =	sadd.s32 s2, s18  }
0x6: {  	[smem:$0x3FC6] =	sst s2  }
0x7: {  	_ = 	snop  }
0x8: {  	s2 =	sld [smem:$0x3FD0];
	(tm) =	ssettm $0x1  }
0x9: {  	s19 =	sld [smem:$0x3FFB];
	_ =	sdelay $0x3  }
0xa: {  	_ =	strace s19  }
0xb: {  	s3 =	sld [smem:$0x3FFC];
	_ =	sdelay $0x3  }
0xc: {  	_ =	strace s3  }
0xd: {  	s3 =	sld [smem:$0x3FFD];
	_ =	sdelay $0x3  }
0xe: {  	_ =	strace s3  }
0xf: {  	_ =	strace $0x8FFFFFFF  }
0x10: {  	s20 =	sld [smem:$0x3FDB];
	_ =	sdelay $0x1  }
0x11: {  	s4 =	simm.s32 $_scs_section_size  }
0x12: {  	s5 =	simm.s32 $_size__tile_overlayer_lowered;
	s6 =	simm.s32 $_tile_overlayer_lowered  }
0x13: {  	s23 =	simm.s32 $0x1BFF;
	s22 =	sshll.u32 s6, $0x1;
	s3 =	sadd.s32 s4, s20  }
0x14: {  	s7 =	simm.s32 $0x0;
	s21 =	sshll.u32 s5, $0x1;
	s5 =	sadd.s32 s22, s3  }
0x15: {  	[timem:s7], [sflag:s23] =	dma.local [hbm:s5], s21  }
0x16: {  	_ =	swait.ge [sflag:s23], s21  }
0x17: {  	s4 =	ssub.s32 $0x0, s21;
	[sflag:s23] =	ssyncset.done $0x0  }
0x18: {  	[sflag:s23] =	ssyncadd.s32 s4;
	_ =	sdelay $0x1  }
0x19: {  	s24 =	simm.s32 $0x1B8B  }
0x1a: {  	_ =	swait.ge [sflag:s24], $0x1  }
0x1b: {  	[sflag:s24] =	ssyncset.done $0x0  }
0x1c: {  	s26 =	simm.s32 $0x1B8E;
	s25 =	sld [smem:$0x3FFE];
	[sflag:s24] =	ssyncadd.s32 $0xFFFFFFFF  }
0x1d: {  	s27 =	simm.s32 $execute0_lowered;
	[smem:$0x3FD2] =	sst s26  }
0x1e: {  	s5 =	sshll.u32 s27, $0x1;
	_ =	strace $0x80000049;
	[dreg:$0x1] =	wrdreg $0xFFFFFFFF  }
0x1f: {  	s28 =	simm.s32 $_size_execute0_lowered;
	s3 =	sadd.s32 s3, s5;
	[dreg:$0x0] =	wrdreg $0x0  }
0x20: {  	s5 =	sshll.u32 s28, $0x1;
	[dreg:$0x2] =	wrdreg s3  }
0x21: {  	[dreg:$0x3] =	wrdreg s5  }
0x22: {  	[dreg:$0x4] =	wrdreg $0xC0  }
0x23: {  	_ =	task [dreg:s7], $0x5FFFF  }
0x24: {  	[dreg:$0x1] =	wrdreg $0xFFFFFFFF  }
0x25: {  	[dreg:$0x0] =	wrdreg $0x60  }
0x26: {  	[dreg:$0x2] =	wrdreg s25  }
0x27: {  	[dreg:$0x3] =	wrdreg s2  }
0x28: {  	[dreg:$0x4] =	wrdreg $0x9  }
0x29: {  	_ =	task.clear_ibuf [dreg:s7], $0x5FFFF;
	_ =	strace $0x90000049  }
0x2a: {  	s29 =	simm.s32 $0x9;
	_ =	strace $0x8000004B  }
0x2b: {  	_ =	swait.ge [sflag:s29], $0x1  }
0x2c: {  	[sflag:s29] =	ssyncadd.s32 $0xFFFFFFFF  }
0x2d: {  	_ =	strace $0x9000004B  }
0x2e: {  	_ =	sfence  }
0x2f: {  	s30 =	sld [smem:$0x0];
	_ =	sdelay $0x2  }
0x30: {  	s31 =	sshll.u32 s1, $0xD;
	s1 =	sshrl.u32 s1, $0x2  }
0x31: {  	s3 =	sand.u32 $0x4000, s31;
	s1 =	sadd.s32 s1, s30  }
0x32: {  	s0 =	sor.u32 s3, s0;
	s1 =	sshll.u32 s1, $0x11  }
0x33: {  	s0 =	sor.u32 s1, s0  }
0x34: {  	s0 =	sadd.s32 $0x8F2B, s0  }
0x35: {  	[sflag:s0] =	ssyncadd.remote.s32 $0x1  }
0x36: {  	_ =	sfence.sel $0xFFFF  }
0x37: {  	[dreg:$0x0] =	wrdreg $0xFFFFFFFF;
	(pc) =	sbr.abs _section_cstart, $3  }
0x38: {  	[dreg:$0x1] =	wrdreg $0xFFFFFFFF  }
0x39: {  	_ =	task.clear_ibuf [dreg:s7], $0x2FFFF;
	_ =	strace $0x9FFFFFFF  }
0x3a: {  	(tm) =	ssettm $0x7FFFFFFF  }
0x3b: {  	_ =	shalt  }
tec
execute0_lowered:
.L_overlay_start_1:
0x0: {  	(tag) =	ssettag $0x1  }
0x1: {  	s0 =	srdreg.scid  }
0x2: {  	s1 =	sshll.u32 s0, $0x4  }
0x3: {  	s0 =	stileid.u32;
	s1 =	sand.u32 $0x10, s1  }
0x4: {  	s1 =	sor.u32 s0, s1  }
0x5: {  	s6 =	rddreg [dreg:$0x0];
	s4 =	simm.s32 $0x1;
	s2 =	sshll.u32 s1, $0x7  }
0x6: {  	s7 =	simm.s32 $0x2;
	s12 =	simm.s32 $0x0;
	s1 =	ssub.s32 $0x4000, s2  }
0x7: {  	s8 =	simm.s32 $0x20000;
	s13 =	simm.s32 $0x0;
	s3 =	sand.u32 $0xF80, s1  }
0x8: {  	s9 =	simm.s32 $0x0;
	s5 =	sshrl.u32 s1, $0xC;
	p0 =	sne.s32 s3, $0x0  }
.Ltmp0:
0x9: {  	s1 =	rddreg [dreg:$0x2];
	s4 =	simm.s32 @!p0 $0x0;
	(pc) =	sbr.rel .LBB1_1-.Ltmp0, $4  }
0xa: {  	s11 =	simm.s32 $0x0;
	s3 =	rddreg [dreg:$0x1];
	s5 =	sadd.s32 s4, s5  }
0xb: {  	_ =	strace $0x8000004A;
	s4 =	simm.s32 $0x1;
	s5 =	smul.u32 $0x32, s5  }
0xc: {  	s6 =	sadd.s32 $0xF42C00, s6;
	s10 =	smov.u32 s2;
	[sflag:s4] =	ssyncpa.u1 $0x0  }
0xd: {  	p0 =	por $0x0, $0x0;
	[sflag:s7] =	ssyncpa.u1 $0x0;
	s7 =	sor.u32 $0x1, s5  }
.LBB1_4:
0xe: {  	s16 =	sshll.u32 s13, $0x3;
	s17 =	sand.u32 $0x78, s13  }
0xf: {  	s30 =	sand.u32 $0x1F800, s13;
	s12 =	sshll.u32 s12, $0x11;
	s16 =	sand.u32 $0x3C00, s16  }
0x10: {  	[tilespmem:s15+$0x810 ss:$0x81] =	vst.msk $0xffff, v2;
	s31 =	sand.u32 $0x7, s13;
	s16 =	sor.u32 s17, s16;
	s17 =	sadd.s32 s3, s30  }
0x11: {  	[tilespmem:s15+$0x1020 ss:$0x81] =	vst.msk $0xffff, v0;
	s13 =	sshll.u32 s31, $0x12;
	s12 =	sadd.s32 s12, s17;
	s16 =	sshrl.u32 s16, $0x3  }
0x12: {  	[tilespmem:s15+$0x0 ss:$0x81] =	vst.msk $0xffff, v1;
	s13 =	sor.u32 $0x400, s13;
	s12 =	sadd.s32 s16, s12  }
0x13: {  	[hbm4b:s12+s13] =	stream.strided.scatter [tilespmem:s14], [sflag:$0x2], $0x2000, s8, s13, $0x20;
	[tilespmem:$0x8080] =	vst v63  }
.LBB1_5:
0x14: {  	s14 =	sadd.s32 $0x1, s9  }
0x15: {  	s12 =	sadd.s32 $0x1000, s10;
	s16 =	smov.u32 s10;
	p2 =	sgt.s32 s14, $0x31  }
0x16: {  	s16 =	smov.u32 @p2 s12  }
0x17: {  	s14 =	simm.s32 @p2 $0x0;
	p2 =	sgt.s32 s16, $0x3FFF  }
0x18: {  	s16 =	smov.u32 @p2 s2;
	p2 =	sne.s32 s11, s7  }
.Ltmp1:
0x19: {  	p1 =	slt.u32 s11, $0x2;
	(pc) =	sbr.rel @!p2 .LBB1_6-.Ltmp1, $4  }
0x1a: {  	s15 =	simm.s32 @!p1 $0x2  }
0x1b: {  	s13 =	smov.u32 s10;
	p0 =	por !p0, !p0;
	_ =	swait.ge @!p1 [sflag:s15], $0x2000  }
0x1c: {  	s12 =	smov.u32 s9;
	[sflag:s15] =	ssyncset.done @!p1 $0x0;
	s9 =	smov.u32 s14  }
0x1d: {  	s11 =	sadd.s32 $0x1, s11;
	[sflag:s15] =	ssyncadd.s32 @!p1 $0xFFFFE000;
	s10 =	smov.u32 s16  }
.LBB1_1:
0x1e: {  	p1 =	sge.u32 s11, s5  }
0x1f: {  	s14 =	sand.u32 @!p1 $0x1FFFFFF, s9  }
0x20: {  	s15 =	smulhi.u32 @!p1 $0x4924925, s14;
	_ =	sdelay $0x1  }
0x21: {  	s15 =	smul.u32 @!p1 $0x38, s15  }
0x22: {  	s16 =	sxor.u32 @!p1 $0xFFFFFFFF, s11;
	s17 =	smul.u32 @!p1 $0x380, s10  }
0x23: {  	s31 =	sadd.s32 $0xFFFFFFFF, s11;
	s16 =	sshll.u32 @!p1 s16, $0xD;
	s14 =	ssub.s32 @!p1 s14, s15  }
0x24: {  	s15 =	sand.u32 @!p1 $0x2000, s16;
	s16 =	sadd.s32 @!p1 s6, s17;
	s14 =	sshll.u32 @!p1 s14, $0x4  }
0x25: {  	s17 =	simm.s32 @!p1 $0x1C00;
	s14 =	sadd.s32 @!p1 s14, s16;
	s16 =	simm.s32 @!p1 $0x40  }
0x26: {  	[tilespmem:s15], [sflag:$0x1] =	stream.strided.gather @!p1 [hbm4b:s14+s16], $0x2000, s17, s16, $0x38;
	[tilespmem:$0x8080] =	vst v63  }
0x27: {  	p1 =	sge.u32 s31, s5  }
.Ltmp2:
0x28: {  	_ = 	snop;
	(pc) =	sbr.rel @p1 .LBB1_5-.Ltmp2, $1  }
0x29: {  	_ =	sdelay $0x3  }
0x2a: {  	s14 =	simm.s32 $0x1  }
0x2b: {  	_ =	swait.ge [sflag:s4], $0x2000;
	s14 =	simm.s32 @!p0 $0x0  }
0x2c: {  	[sflag:s4] =	ssyncset.done $0x0;
	s15 =	sshll.u32 s14, $0xD  }
0x2d: {  	[sflag:s4] =	ssyncadd.s32 $0xFFFFE000;
	s18 =	sor.u32 $0x20, s15  }
0x2e: {  	s14 =	smul.u32 $0x8100, s14;
	v3 =	vld [tilespmem:s18+$0x10]  }
0x2f: {  	s30 =	sand.u32 $0x1, s11;
	v2 =	vld [tilespmem:s18+$0xFFFFFFF0]  }
0x30: {  	s15 =	smul.u32 $0x8100, s30;
	s14 =	sshrl.u32 s14, $0x2;
	v0 =	vld [tilespmem:s18+$0x0]  }
0x31: {  	v1 =	vld [tilespmem:s18+$0xFFFFFFE0];
	s16 =	sor.u32 $0x4000, s14  }
0x32: {  	s31 =	sshrl.u32 s15, $0x2;
	s15 =	sadd.s32 $0x0, s16  }
0x33: {  	s17 =	simm.s32 $0x4;
	s18 =	sadd.s32 $0x40, s18;
	s14 =	sor.u32 $0x4000, s31;
	[tilespmem:s15+$0x1830 ss:$0x81] =	vst.msk $0xffff, v3  }
.LBB1_3:
0x34: {  	v3 =	vld [tilespmem:s18+$0x10];
	p1 =	sne.s32 s17, $0x1FC;
	[tilespmem:s15+$0x810 ss:$0x81] =	vst.msk $0xffff, v2;
	s19 =	smov.u32 s17;
	s17 =	sadd.s32 $0x4, s17  }
.Ltmp3:
0x35: {  	v2 =	vld [tilespmem:s18+$0xFFFFFFF0];
	[tilespmem:s15+$0x1020 ss:$0x81] =	vst.msk $0xffff, v0;
	(pc) =	sbr.rel @p1 .LBB1_3-.Ltmp3, $4  }
0x36: {  	v0 =	vld [tilespmem:s18+$0x0];
	[tilespmem:s15+$0x0 ss:$0x81] =	vst.msk $0xffff, v1  }
0x37: {  	s15 =	sshra.s32 s19, $0x2;
	v1 =	vld [tilespmem:s18+$0xFFFFFFE0]  }
0x38: {  	s15 =	sadd.s32 s15, s16  }
0x39: {  	s18 =	sadd.s32 $0x40, s18;
	[tilespmem:s15+$0x1830 ss:$0x81] =	vst.msk $0xffff, v3  }
.Ltmp4:
0x3a: {  	_ = 	snop;
	(pc) =	sbr.rel .LBB1_4-.Ltmp4, $1  }
0x3b: {  	_ =	sdelay $0x3  }
.LBB1_6:
0x3c: {  	_ =	sfence.sel $0x180000  }
0x3d: {  	s2 =	simm.s32 $0x1;
	[bflag:$0x0] =	sbarrier.arrive $0xFFFF  }
0x3e: {  	s31 =	simm.s32 $0x2;
	[sflag:s2] =	ssyncpa.u1 $0x1  }
0x3f: {  	[sflag:s31] =	ssyncpa.u1 $0x1  }
0x40: {  	p0 =	sne.s32 s0, $0x0;
	_ =	strace $0x9000004A  }
0x41: {  	s0 =	sadd.s32 @!p0 $0x100000, s1;
	[bflag:$0x2] =	sbarrier.arrive $0xFFFF  }
0x42: {  	[sflag:s0] =	ssyncadd.tile.s32 @!p0 $0x1;
	_ =	shalt  }
.Lfunc_end1:
_tile_overlayer_lowered:
.L_overlay_start_2:
0x43: {  	(tag) =	ssettag $0x2  }
0x44: {  	s0 =	rddreg [dreg:$0x0];
	s2 =	stileid.u32  }
0x45: {  	s1 =	rddreg [dreg:$0x1];
	p0 =	sne.s32 s2, $0x0  }
0x46: {  	s3 =	rddreg [dreg:$0x2];
	[bflag:$0x3] =	sbarrier.arrive $0xFFFF;
	s2 =	simm.s32 @!p0 $0x1C01  }
0x47: {  	[timem:s3], [sflag:s2] =	dma.local @!p0 [hbm:s0], s1  }
0x48: {  	s0 =	simm.s32 @!p0 $0x1  }
0x49: {  	_ =	swait.ge @!p0 [sflag:s0], s1  }
0x4a: {  	s1 =	ssub.s32 @!p0 $0x0, s1;
	[sflag:s0] =	ssyncset.done @!p0 $0x0  }
0x4b: {  	[sflag:s0] =	ssyncadd.s32 @!p0 s1  }
0x4c: {  	[bflag:$0x3] =	sbarrier.arrive $0xFFFF  }
0x4d: {  	_ =	shalt  }

</sc_bundles>
